<compile_context>
chip_gen: v7x
topology: tpu7x:2x2x1
jax: 0.10.2.dev20260603
libtpu: 0.0.44.dev20260713+nightly
codegen_flags: <defaults>
</compile_context>

<pallas_src>
import math

import jax
import jax.numpy as jnp
from jax import lax
from jax.experimental import pallas as pl
from jax.experimental.pallas import tpu as pltpu
from jax.experimental.pallas import tpu_sc as plsc

_N_EMBED = 8192
_CODE_DIM = 32
_EMBED_DIM = 64
_COMMIT = 0.25
_ETILE = 1024
_NET = _N_EMBED // _ETILE
_TOK = 1024
_B = 16
_BPG = 2
_BTOK = _BPG * _TOK
_NTOK = _B * _TOK
_LOG_N = math.log(_N_EMBED)
_NC = 2
_NS = 16
_NW = _NC * _NS
_TPW = _NTOK // _NW
_ICHUNK = 128
_NJ = _TPW // _ICHUNK


def _prologue_body(emb_ref, enorm_ref, embbf_ref, e2_ref):
    e = emb_ref[...]
    en = jnp.sqrt(jnp.sum(e * e, axis=1, keepdims=True))
    enorm = e / jnp.maximum(en, 1e-12)
    enorm_ref[:, 0:_CODE_DIM] = enorm
    embbf_ref[...] = (enorm * -2.0).astype(jnp.bfloat16)
    e2_ref[...] = jnp.sum(enorm * enorm, axis=1, keepdims=True).reshape(
        1, _ETILE, 1)


def _prologue(emb):
    return pl.pallas_call(
        _prologue_body,
        grid=(_NET,),
        in_specs=[pl.BlockSpec((_ETILE, _CODE_DIM), lambda t: (t, 0))],
        out_specs=[
            pl.BlockSpec((_ETILE, 128), lambda t: (t, 0)),
            pl.BlockSpec((_ETILE, _CODE_DIM), lambda t: (t, 0)),
            pl.BlockSpec((1, _ETILE, 1), lambda t: (t, 0, 0)),
        ],
        out_shape=[
            jax.ShapeDtypeStruct((_N_EMBED, 128), jnp.float32),
            jax.ShapeDtypeStruct((_N_EMBED, _CODE_DIM), jnp.bfloat16),
            jax.ShapeDtypeStruct((_NET, _ETILE, 1), jnp.float32),
        ],
        compiler_params=pltpu.CompilerParams(
            dimension_semantics=("arbitrary",)),
    )(emb)


def _phase_a_body(z_ref, wd_ref, bd_ref, embbf_ref, e2_ref,
                  idx_ref, commit_ref,
                  znb_ref, rn2_ref, bestm_ref, besti_ref):
    b = pl.program_id(0)
    t = pl.program_id(1)

    @pl.when(jnp.logical_and(b == 0, t == 0))
    def _init():
        commit_ref[...] = jnp.zeros_like(commit_ref)

    @pl.when(t == 0)
    def _proj():
        zmat = jnp.concatenate(
            [z_ref[i].reshape(_EMBED_DIM, _TOK) for i in range(_BPG)], axis=1)
        zl = jnp.dot(wd_ref[...].astype(jnp.bfloat16),
                     zmat.astype(jnp.bfloat16),
                     preferred_element_type=jnp.float32) + bd_ref[...]
        n = jnp.sqrt(jnp.sum(zl * zl, axis=0, keepdims=True))
        zn = zl / jnp.maximum(n, 1e-12)
        znb_ref[...] = zn.astype(jnp.bfloat16)
        rn2_ref[...] = jnp.sum(zn * zn, axis=0, keepdims=True)

    G = jnp.dot(embbf_ref[...], znb_ref[...],
                preferred_element_type=jnp.float32)
    s = e2_ref[0] + G
    m = jnp.min(s, axis=0, keepdims=True)
    a = jnp.argmin(s, axis=0).astype(jnp.int32).reshape(1, _BTOK) + t * _ETILE
    m = jnp.sqrt(jnp.maximum(rn2_ref[...] + m, 0.0))

    @pl.when(t == 0)
    def _first():
        bestm_ref[...] = m
        besti_ref[...] = a

    @pl.when(t > 0)
    def _upd():
        better = m < bestm_ref[...]
        bestm_ref[...] = jnp.where(better, m, bestm_ref[...])
        besti_ref[...] = jnp.where(better, a, besti_ref[...])

    @pl.when(t == (_NET // 2) - 1)
    def _carry_round():
        bestm_ref[...] = bestm_ref[...].astype(jnp.bfloat16).astype(jnp.float32)

    @pl.when(t == _NET - 1)
    def _fin():
        idx_ref[...] = besti_ref[...].reshape(_BPG, 1, _TOK)
        bsum = jnp.sum(bestm_ref[...] ** 2)
        acc = commit_ref[...] + bsum
        scale = _COMMIT / float(_NTOK * _CODE_DIM)
        commit_ref[...] = jnp.where(b == (_B // _BPG) - 1, acc * scale, acc)


def _phase_a(z, Wd, bd2, embbf, e2):
    return pl.pallas_call(
        _phase_a_body,
        grid=(_B // _BPG, _NET),
        in_specs=[
            pl.BlockSpec((_BPG, _EMBED_DIM, 32, 32), lambda b, t: (b, 0, 0, 0)),
            pl.BlockSpec((_CODE_DIM, _EMBED_DIM), lambda b, t: (0, 0)),
            pl.BlockSpec((_CODE_DIM, 1), lambda b, t: (0, 0)),
            pl.BlockSpec((_ETILE, _CODE_DIM), lambda b, t: (t, 0)),
            pl.BlockSpec((1, _ETILE, 1), lambda b, t: (t, 0, 0)),
        ],
        out_specs=[
            pl.BlockSpec((_BPG, 1, _TOK), lambda b, t: (b, 0, 0)),
            pl.BlockSpec((1, 128), lambda b, t: (0, 0)),
        ],
        out_shape=[
            jax.ShapeDtypeStruct((_B, 1, _TOK), jnp.int32),
            jax.ShapeDtypeStruct((1, 128), jnp.float32),
        ],
        scratch_shapes=[
            pltpu.VMEM((_CODE_DIM, _BTOK), jnp.bfloat16),
            pltpu.VMEM((1, _BTOK), jnp.float32),
            pltpu.VMEM((1, _BTOK), jnp.float32),
            pltpu.VMEM((1, _BTOK), jnp.int32),
        ],
        compiler_params=pltpu.CompilerParams(
            dimension_semantics=("arbitrary", "arbitrary")),
    )(z, Wd, bd2, embbf, e2)


def _phase_b_body(idx_hbm, enorm_hbm, zeros_hbm, ones_hbm,
                  esel_hbm, usage_hbm,
                  idx_v, rows_v, ones_v, hist_sh, sem):
    c = lax.axis_index("c")
    s = lax.axis_index("s")
    wid = s * _NC + c

    pltpu.sync_copy(idx_hbm.at[pl.ds(wid * _NJ, _NJ)], idx_v)
    pltpu.sync_copy(ones_hbm, ones_v)

    @pl.when(s == 0)
    def _zero():
        pltpu.sync_copy(zeros_hbm, hist_sh)

    cps = [pltpu.async_copy(enorm_hbm.at[idx_v.at[j]],
                            rows_v.at[pl.ds(j * _ICHUNK, _ICHUNK)], sem)
           for j in range(_NJ)]
    for cp in cps:
        cp.wait()
    pltpu.sync_copy(rows_v, esel_hbm.at[pl.ds(wid * _TPW, _TPW)])

    plsc.subcore_barrier()
    for j in range(_NJ):
        pltpu.sync_copy(ones_v, hist_sh.at[idx_v.at[j]], add=True)
    plsc.subcore_barrier()

    @pl.when(s == 0)
    def _out():
        pltpu.sync_copy(hist_sh, usage_hbm.at[c])


def _phase_b(idx2d, enorm, zeros, ones):
    mesh = plsc.VectorSubcoreMesh(core_axis_name="c", subcore_axis_name="s")
    f = pl.kernel(
        _phase_b_body,
        out_type=[
            jax.ShapeDtypeStruct((_NTOK, 128), jnp.float32),
            jax.ShapeDtypeStruct((_NC, _N_EMBED), jnp.float32),
        ],
        mesh=mesh,
        scratch_types=[
            pltpu.VMEM((_NJ, _ICHUNK), jnp.int32),
            pltpu.VMEM((_TPW, 128), jnp.float32),
            pltpu.VMEM((_ICHUNK,), jnp.float32),
            pltpu.VMEM_SHARED((_N_EMBED,), jnp.float32),
            pltpu.SemaphoreType.DMA,
        ],
    )
    return f(idx2d, enorm, zeros, ones)


def _phase_c_body(esel_ref, wu_ref, bu_ref, usage_ref, zq_ref, met_ref):
    b = pl.program_id(0)
    es = jnp.concatenate(
        [esel_ref[i][:, 0:_CODE_DIM] for i in range(_BPG)], axis=0)
    zq = lax.dot_general(wu_ref[...].astype(jnp.bfloat16),
                         es.astype(jnp.bfloat16), (((1,), (1,)), ((), ())),
                         preferred_element_type=jnp.float32) + bu_ref[...]
    for i in range(_BPG):
        zq_ref[i] = zq[:, i * _TOK:(i + 1) * _TOK].reshape(
            _EMBED_DIM, 32, 32)

    @pl.when(b == 0)
    def _metrics():
        u = usage_ref[0:1, :] + usage_ref[1:2, :]
        total = jnp.sum(u)
        p = u / (total + 1e-8)
        ent = -jnp.sum(p * jnp.log(p + 1e-8))
        eloss = _LOG_N - ent
        perp = jnp.exp(ent)
        util = jnp.sum((u > 0.0).astype(jnp.float32)) / float(_N_EMBED)
        lanes = lax.broadcasted_iota(jnp.int32, (1, 128), 1)
        met = jnp.where(lanes == 0, eloss,
                        jnp.where(lanes == 1, perp,
                                  jnp.where(lanes == 2, util, 0.0)))
        met_ref[...] = met


def _phase_c(esel3, Wu, bu2, usage2):
    return pl.pallas_call(
        _phase_c_body,
        grid=(_B // _BPG,),
        in_specs=[
            pl.BlockSpec((_BPG, _TOK, 128), lambda b: (b, 0, 0)),
            pl.BlockSpec((_EMBED_DIM, _CODE_DIM), lambda b: (0, 0)),
            pl.BlockSpec((_EMBED_DIM, 1), lambda b: (0, 0)),
            pl.BlockSpec((_NC, _N_EMBED), lambda b: (0, 0)),
        ],
        out_specs=[
            pl.BlockSpec((_BPG, _EMBED_DIM, 32, 32), lambda b: (b, 0, 0, 0)),
            pl.BlockSpec((1, 128), lambda b: (0, 0)),
        ],
        out_shape=[
            jax.ShapeDtypeStruct((_B, _EMBED_DIM, 32, 32), jnp.float32),
            jax.ShapeDtypeStruct((1, 128), jnp.float32),
        ],
        compiler_params=pltpu.CompilerParams(
            dimension_semantics=("arbitrary",)),
    )(esel3, Wu, bu2, usage2)


def kernel(z, Wd, bd, Wu, bu, embedding):
    B, C, H, W = z.shape
    enorm, embbf, e2 = _prologue(embedding)
    idx3, commit = _phase_a(z, Wd, bd.reshape(_CODE_DIM, 1), embbf, e2)
    idx2d = idx3.reshape(_NTOK // _ICHUNK, _ICHUNK)
    zeros = jnp.zeros((_N_EMBED,), jnp.float32)
    ones = jnp.ones((_ICHUNK,), jnp.float32)
    esel, usage2 = _phase_b(idx2d, enorm, zeros, ones)
    zq, met = _phase_c(esel.reshape(B, H * W, 128), Wu,
                       bu.reshape(_EMBED_DIM, 1), usage2)
    return (zq, commit[0, 0], idx3.reshape(B, H, W),
            met[0, 0], met[0, 1], met[0, 2])

# --- scband reference (transcript-rebuilt; emitter-appended) ---
"""Pipeline reference for scband-factorized-l2-vq-22256520528537 (READ-ONLY COPY).

The authoritative reference and input builder live on the scoring server;
editing this copy changes nothing except your own understanding.
"""

import jax, jax.numpy as jnp
import numpy as np

N_EMBED = 8192
CODE_DIM = 32
EMBED_DIM = 64
COMMIT = 0.25


def _l2n(x):
    n = jnp.linalg.norm(x, axis=-1, keepdims=True)
    return x / jnp.clip(n, 1e-12)


def setup_inputs(seed: int = 0):
    key = jax.random.key(seed)
    k1, k2, k3, k4 = jax.random.split(key, 4)
    z = jax.random.normal(k1, (16, EMBED_DIM, 32, 32), jnp.float32)
    # 1x1 conv weights as dense matrices (out, in)
    Wd = jax.random.normal(k2, (CODE_DIM, EMBED_DIM), jnp.float32) / np.sqrt(EMBED_DIM)
    bd = jnp.zeros((CODE_DIM,), jnp.float32)
    Wu = jax.random.normal(k3, (EMBED_DIM, CODE_DIM), jnp.float32) / np.sqrt(CODE_DIM)
    bu = jnp.zeros((EMBED_DIM,), jnp.float32)
    embedding = jax.random.uniform(k4, (N_EMBED, CODE_DIM), jnp.float32, -1.0 / N_EMBED, 1.0 / N_EMBED)
    return {"z": z, "Wd": Wd, "bd": bd, "Wu": Wu, "bu": bu, "embedding": embedding}


def reference(z, Wd, bd, Wu, bu, embedding):
    B, C, H, W = z.shape
    # proj_down (1x1 conv)
    z_low = jnp.einsum('bchw,dc->bdhw', z, Wd) + bd[None, :, None, None]
    z_low_flat = z_low.transpose(0, 2, 3, 1).reshape(-1, CODE_DIM).astype(jnp.float32)
    z_norm = _l2n(z_low_flat)
    e_norm = _l2n(embedding.astype(jnp.float32))
    # torch.cdist (euclidean)
    d2 = (jnp.sum(z_norm ** 2, axis=1, keepdims=True)
          + jnp.sum(e_norm ** 2, axis=1)[None, :]
          - 2.0 * (z_norm @ e_norm.T))
    dist = jnp.sqrt(jnp.clip(d2, 0.0))
    indices = jnp.argmin(dist, axis=-1)
    e_sel = jnp.take(e_norm, indices, axis=0)
    commitment_loss = COMMIT * jnp.mean((z_norm - jax.lax.stop_gradient(e_sel)) ** 2)
    # straight-through
    zq_flat = z_norm + jax.lax.stop_gradient(e_sel - z_norm)
    zq_low = zq_flat.reshape(B, H, W, CODE_DIM).transpose(0, 3, 1, 2)
    # proj_up (1x1 conv)
    z_q = jnp.einsum('bdhw,ed->behw', zq_low, Wu) + bu[None, :, None, None]
    indices_2d = indices.reshape(B, H, W)
    # metrics
    usage = jnp.bincount(indices, length=N_EMBED).astype(jnp.float32)
    p = usage / (usage.sum() + 1e-8)
    entropy = -jnp.sum(p * jnp.log(p + 1e-8))
    entropy_loss = np.log(N_EMBED) - entropy
    perplexity = jnp.exp(entropy)
    utilization = (usage > 0).sum().astype(jnp.float32) / N_EMBED
    return (z_q, commitment_loss, indices_2d, entropy_loss, perplexity, utilization)

if __name__ == "__main__":
    import jax
    _d = setup_inputs()
    print(jax.jit(kernel)(*tuple(_d.values())))

</pallas_src>

<mosaic_0001>
#map = affine_map<(d0, d1) -> (0, 0)>
#map1 = affine_map<(d0, d1) -> (0)>
module attributes {stable_mosaic.version = 14 : i64} {
  func.func @_phase_b_body(%arg0: i32, %arg1: i32, %arg2: memref<128x128xi32, #tpu.memory_space<hbm>>, %arg3: memref<8192x128xf32, #tpu.memory_space<hbm>>, %arg4: memref<8192xf32, #tpu.memory_space<hbm>>, %arg5: memref<128xf32, #tpu.memory_space<hbm>>, %arg6: memref<16384x128xf32, #tpu.memory_space<hbm>>, %arg7: memref<2x8192xf32, #tpu.memory_space<hbm>>, %arg8: memref<4x128xi32, #tpu.memory_space<vmem>>, %arg9: memref<512x128xf32, #tpu.memory_space<vmem>>, %arg10: memref<128xf32, #tpu.memory_space<vmem>>, %arg11: memref<8192xf32, #tpu.memory_space<vmem_shared>>, %arg12: memref<!tpu.dma_semaphore, #tpu.memory_space<semaphore_mem>>) attributes {dimension_semantics = [#tpu.dimension_semantics<core_parallel>, #tpu.dimension_semantics<subcore_parallel>], iteration_bounds = array<i64: 2, 16>, scalar_prefetch = 0 : i64, scratch_operands = 5 : i64, tpu.core_type = #tpu.core_type<sc_vector_subcore>, window_params = [{transform_indices = #map}, {transform_indices = #map}, {transform_indices = #map1}, {transform_indices = #map1}, {transform_indices = #map}, {transform_indices = #map}]} {
    %mul3A = arith.constant 2 : i32
    %mul3A_0 = arith.muli %arg1, %mul3A : i32
    %add3A = arith.addi %mul3A_0, %arg0 : i32
    %mul3A_1 = arith.constant 4 : i32
    %mul3A_2 = arith.muli %add3A, %mul3A_1 : i32
    "tpu.region"() ({
      %run_scoped3A_94 = tpu.sem_alloc : memref<!tpu.dma_semaphore, #tpu.memory_space<semaphore_mem>>
      %dma_start3A_95 = arith.constant 0 : i32
      %dma_start3A_96 = tpu.memref_slice %arg2[%mul3A_2, %dma_start3A_95] : memref<128x128xi32, #tpu.memory_space<hbm>> -> memref<4x128xi32, #tpu.memory_space<hbm>>
      %dma_start3A_97 = arith.constant 0 : i32
      %dma_start3A_98 = tpu.memref_slice %arg2[%mul3A_2, %dma_start3A_97] : memref<128x128xi32, #tpu.memory_space<hbm>> -> memref<4x128xi32, #tpu.memory_space<hbm>>
      tpu.enqueue_dma source(%dma_start3A_98 : memref<4x128xi32, #tpu.memory_space<hbm>>) target(%arg8 : memref<4x128xi32, #tpu.memory_space<vmem>>) target_semaphore(%run_scoped3A_94 : memref<!tpu.dma_semaphore, #tpu.memory_space<semaphore_mem>>)
      %dma_wait3A_99 = arith.constant 0 : i32
      %dma_wait3A_100 = tpu.memref_slice %arg2[%mul3A_2, %dma_wait3A_99] : memref<128x128xi32, #tpu.memory_space<hbm>> -> memref<4x128xi32, #tpu.memory_space<hbm>>
      %dma_wait3A_101 = arith.constant 0 : i32
      %dma_wait3A_102 = tpu.memref_slice %arg2[%mul3A_2, %dma_wait3A_101] : memref<128x128xi32, #tpu.memory_space<hbm>> -> memref<4x128xi32, #tpu.memory_space<hbm>>
      tpu.wait_dma2 semaphore(%run_scoped3A_94 : memref<!tpu.dma_semaphore, #tpu.memory_space<semaphore_mem>>) src(%dma_wait3A_102 : memref<4x128xi32, #tpu.memory_space<hbm>>) dst(%arg8 : memref<4x128xi32, #tpu.memory_space<vmem>>)
      tpu.yield
    }) : () -> ()
    "tpu.region"() ({
      %run_scoped3A_94 = tpu.sem_alloc : memref<!tpu.dma_semaphore, #tpu.memory_space<semaphore_mem>>
      tpu.enqueue_dma source(%arg5 : memref<128xf32, #tpu.memory_space<hbm>>) target(%arg10 : memref<128xf32, #tpu.memory_space<vmem>>) target_semaphore(%run_scoped3A_94 : memref<!tpu.dma_semaphore, #tpu.memory_space<semaphore_mem>>)
      tpu.wait_dma2 semaphore(%run_scoped3A_94 : memref<!tpu.dma_semaphore, #tpu.memory_space<semaphore_mem>>) src(%arg5 : memref<128xf32, #tpu.memory_space<hbm>>) dst(%arg10 : memref<128xf32, #tpu.memory_space<vmem>>)
      tpu.yield
    }) : () -> ()
    %eq3A = arith.constant 0 : i32
    %eq3A_3 = arith.cmpi eq, %arg1, %eq3A : i32
    %convert_element_type3A = arith.extui %eq3A_3 : i1 to i32
    %cond3A = arith.constant 0 : i32
    %cond3A_4 = arith.cmpi ne, %convert_element_type3A, %cond3A : i32
    scf.if %cond3A_4 {
      "tpu.region"() ({
        %run_scoped3A_94 = tpu.sem_alloc : memref<!tpu.dma_semaphore, #tpu.memory_space<semaphore_mem>>
        tpu.enqueue_dma source(%arg4 : memref<8192xf32, #tpu.memory_space<hbm>>) target(%arg11 : memref<8192xf32, #tpu.memory_space<vmem_shared>>) target_semaphore(%run_scoped3A_94 : memref<!tpu.dma_semaphore, #tpu.memory_space<semaphore_mem>>)
        tpu.wait_dma2 semaphore(%run_scoped3A_94 : memref<!tpu.dma_semaphore, #tpu.memory_space<semaphore_mem>>) src(%arg4 : memref<8192xf32, #tpu.memory_space<hbm>>) dst(%arg11 : memref<8192xf32, #tpu.memory_space<vmem_shared>>)
        tpu.yield
      }) : () -> ()
    } else {
    }
    %dma_start3A = arith.constant 0 : i32
    %dma_start3A_5 = arith.constant 0 : i32
    %dma_start3A_6 = arith.constant 0 : i32
    %dma_start3A_7 = tpu.memref_slice %arg9[%dma_start3A_5, %dma_start3A_6] : memref<512x128xf32, #tpu.memory_space<vmem>> -> memref<128x128xf32, #tpu.memory_space<vmem>>
    %dma_start3A_8 = arith.constant 0 : i32
    %dma_start3A_9 = tpu.memref_slice %arg8[%dma_start3A, %dma_start3A_8] : memref<4x128xi32, #tpu.memory_space<vmem>> -> memref<1x128xi32, #tpu.memory_space<vmem>>
    %dma_start3A_10 = tpu.memref_squeeze %dma_start3A_9 : memref<1x128xi32, #tpu.memory_space<vmem>> -> memref<128xi32, #tpu.memory_space<vmem>>
    %dma_start3A_11 = arith.constant 0 : i32
    %dma_start3A_12 = arith.constant 0 : i32
    %dma_start3A_13 = tpu.memref_slice %arg3[%dma_start3A_11, %dma_start3A_12] : memref<8192x128xf32, #tpu.memory_space<hbm>> -> memref<8192x128xf32, #tpu.memory_space<hbm>>
    tpu.enqueue_indirect_dma source(%dma_start3A_13 : memref<8192x128xf32, #tpu.memory_space<hbm>>) target(%dma_start3A_7 : memref<128x128xf32, #tpu.memory_space<vmem>>) offsets(%dma_start3A_10 : memref<128xi32, #tpu.memory_space<vmem>>) semaphore(%arg12 : memref<!tpu.dma_semaphore, #tpu.memory_space<semaphore_mem>>)
    %dma_start3A_14 = arith.constant 1 : i32
    %dma_start3A_15 = arith.constant 128 : i32
    %dma_start3A_16 = arith.constant 0 : i32
    %dma_start3A_17 = tpu.memref_slice %arg9[%dma_start3A_15, %dma_start3A_16] : memref<512x128xf32, #tpu.memory_space<vmem>> -> memref<128x128xf32, #tpu.memory_space<vmem>>
    %dma_start3A_18 = arith.constant 0 : i32
    %dma_start3A_19 = tpu.memref_slice %arg8[%dma_start3A_14, %dma_start3A_18] : memref<4x128xi32, #tpu.memory_space<vmem>> -> memref<1x128xi32, #tpu.memory_space<vmem>>
    %dma_start3A_20 = tpu.memref_squeeze %dma_start3A_19 : memref<1x128xi32, #tpu.memory_space<vmem>> -> memref<128xi32, #tpu.memory_space<vmem>>
    %dma_start3A_21 = arith.constant 0 : i32
    %dma_start3A_22 = arith.constant 0 : i32
    %dma_start3A_23 = tpu.memref_slice %arg3[%dma_start3A_21, %dma_start3A_22] : memref<8192x128xf32, #tpu.memory_space<hbm>> -> memref<8192x128xf32, #tpu.memory_space<hbm>>
    tpu.enqueue_indirect_dma source(%dma_start3A_23 : memref<8192x128xf32, #tpu.memory_space<hbm>>) target(%dma_start3A_17 : memref<128x128xf32, #tpu.memory_space<vmem>>) offsets(%dma_start3A_20 : memref<128xi32, #tpu.memory_space<vmem>>) semaphore(%arg12 : memref<!tpu.dma_semaphore, #tpu.memory_space<semaphore_mem>>)
    %dma_start3A_24 = arith.constant 2 : i32
    %dma_start3A_25 = arith.constant 256 : i32
    %dma_start3A_26 = arith.constant 0 : i32
    %dma_start3A_27 = tpu.memref_slice %arg9[%dma_start3A_25, %dma_start3A_26] : memref<512x128xf32, #tpu.memory_space<vmem>> -> memref<128x128xf32, #tpu.memory_space<vmem>>
    %dma_start3A_28 = arith.constant 0 : i32
    %dma_start3A_29 = tpu.memref_slice %arg8[%dma_start3A_24, %dma_start3A_28] : memref<4x128xi32, #tpu.memory_space<vmem>> -> memref<1x128xi32, #tpu.memory_space<vmem>>
    %dma_start3A_30 = tpu.memref_squeeze %dma_start3A_29 : memref<1x128xi32, #tpu.memory_space<vmem>> -> memref<128xi32, #tpu.memory_space<vmem>>
    %dma_start3A_31 = arith.constant 0 : i32
    %dma_start3A_32 = arith.constant 0 : i32
    %dma_start3A_33 = tpu.memref_slice %arg3[%dma_start3A_31, %dma_start3A_32] : memref<8192x128xf32, #tpu.memory_space<hbm>> -> memref<8192x128xf32, #tpu.memory_space<hbm>>
    tpu.enqueue_indirect_dma source(%dma_start3A_33 : memref<8192x128xf32, #tpu.memory_space<hbm>>) target(%dma_start3A_27 : memref<128x128xf32, #tpu.memory_space<vmem>>) offsets(%dma_start3A_30 : memref<128xi32, #tpu.memory_space<vmem>>) semaphore(%arg12 : memref<!tpu.dma_semaphore, #tpu.memory_space<semaphore_mem>>)
    %dma_start3A_34 = arith.constant 3 : i32
    %dma_start3A_35 = arith.constant 384 : i32
    %dma_start3A_36 = arith.constant 0 : i32
    %dma_start3A_37 = tpu.memref_slice %arg9[%dma_start3A_35, %dma_start3A_36] : memref<512x128xf32, #tpu.memory_space<vmem>> -> memref<128x128xf32, #tpu.memory_space<vmem>>
    %dma_start3A_38 = arith.constant 0 : i32
    %dma_start3A_39 = tpu.memref_slice %arg8[%dma_start3A_34, %dma_start3A_38] : memref<4x128xi32, #tpu.memory_space<vmem>> -> memref<1x128xi32, #tpu.memory_space<vmem>>
    %dma_start3A_40 = tpu.memref_squeeze %dma_start3A_39 : memref<1x128xi32, #tpu.memory_space<vmem>> -> memref<128xi32, #tpu.memory_space<vmem>>
    %dma_start3A_41 = arith.constant 0 : i32
    %dma_start3A_42 = arith.constant 0 : i32
    %dma_start3A_43 = tpu.memref_slice %arg3[%dma_start3A_41, %dma_start3A_42] : memref<8192x128xf32, #tpu.memory_space<hbm>> -> memref<8192x128xf32, #tpu.memory_space<hbm>>
    tpu.enqueue_indirect_dma source(%dma_start3A_43 : memref<8192x128xf32, #tpu.memory_space<hbm>>) target(%dma_start3A_37 : memref<128x128xf32, #tpu.memory_space<vmem>>) offsets(%dma_start3A_40 : memref<128xi32, #tpu.memory_space<vmem>>) semaphore(%arg12 : memref<!tpu.dma_semaphore, #tpu.memory_space<semaphore_mem>>)
    %dma_wait3A = arith.constant 0 : i32
    %dma_wait3A_44 = arith.constant 0 : i32
    %dma_wait3A_45 = arith.constant 0 : i32
    %dma_wait3A_46 = tpu.memref_slice %arg9[%dma_wait3A_44, %dma_wait3A_45] : memref<512x128xf32, #tpu.memory_space<vmem>> -> memref<128x128xf32, #tpu.memory_space<vmem>>
    %dma_wait3A_47 = arith.constant 0 : i32
    %dma_wait3A_48 = tpu.memref_slice %arg8[%dma_wait3A, %dma_wait3A_47] : memref<4x128xi32, #tpu.memory_space<vmem>> -> memref<1x128xi32, #tpu.memory_space<vmem>>
    %dma_wait3A_49 = tpu.memref_squeeze %dma_wait3A_48 : memref<1x128xi32, #tpu.memory_space<vmem>> -> memref<128xi32, #tpu.memory_space<vmem>>
    %dma_wait3A_50 = arith.constant 0 : i32
    %dma_wait3A_51 = arith.constant 0 : i32
    %dma_wait3A_52 = tpu.memref_slice %arg3[%dma_wait3A_50, %dma_wait3A_51] : memref<8192x128xf32, #tpu.memory_space<hbm>> -> memref<8192x128xf32, #tpu.memory_space<hbm>>
    tpu.wait_indirect_dma semaphore(%arg12 : memref<!tpu.dma_semaphore, #tpu.memory_space<semaphore_mem>>) src(%dma_wait3A_52 : memref<8192x128xf32, #tpu.memory_space<hbm>>) dst(%dma_wait3A_46 : memref<128x128xf32, #tpu.memory_space<vmem>>)
    %dma_wait3A_53 = arith.constant 1 : i32
    %dma_wait3A_54 = arith.constant 128 : i32
    %dma_wait3A_55 = arith.constant 0 : i32
    %dma_wait3A_56 = tpu.memref_slice %arg9[%dma_wait3A_54, %dma_wait3A_55] : memref<512x128xf32, #tpu.memory_space<vmem>> -> memref<128x128xf32, #tpu.memory_space<vmem>>
    %dma_wait3A_57 = arith.constant 0 : i32
    %dma_wait3A_58 = tpu.memref_slice %arg8[%dma_wait3A_53, %dma_wait3A_57] : memref<4x128xi32, #tpu.memory_space<vmem>> -> memref<1x128xi32, #tpu.memory_space<vmem>>
    %dma_wait3A_59 = tpu.memref_squeeze %dma_wait3A_58 : memref<1x128xi32, #tpu.memory_space<vmem>> -> memref<128xi32, #tpu.memory_space<vmem>>
    %dma_wait3A_60 = arith.constant 0 : i32
    %dma_wait3A_61 = arith.constant 0 : i32
    %dma_wait3A_62 = tpu.memref_slice %arg3[%dma_wait3A_60, %dma_wait3A_61] : memref<8192x128xf32, #tpu.memory_space<hbm>> -> memref<8192x128xf32, #tpu.memory_space<hbm>>
    tpu.wait_indirect_dma semaphore(%arg12 : memref<!tpu.dma_semaphore, #tpu.memory_space<semaphore_mem>>) src(%dma_wait3A_62 : memref<8192x128xf32, #tpu.memory_space<hbm>>) dst(%dma_wait3A_56 : memref<128x128xf32, #tpu.memory_space<vmem>>)
    %dma_wait3A_63 = arith.constant 2 : i32
    %dma_wait3A_64 = arith.constant 256 : i32
    %dma_wait3A_65 = arith.constant 0 : i32
    %dma_wait3A_66 = tpu.memref_slice %arg9[%dma_wait3A_64, %dma_wait3A_65] : memref<512x128xf32, #tpu.memory_space<vmem>> -> memref<128x128xf32, #tpu.memory_space<vmem>>
    %dma_wait3A_67 = arith.constant 0 : i32
    %dma_wait3A_68 = tpu.memref_slice %arg8[%dma_wait3A_63, %dma_wait3A_67] : memref<4x128xi32, #tpu.memory_space<vmem>> -> memref<1x128xi32, #tpu.memory_space<vmem>>
    %dma_wait3A_69 = tpu.memref_squeeze %dma_wait3A_68 : memref<1x128xi32, #tpu.memory_space<vmem>> -> memref<128xi32, #tpu.memory_space<vmem>>
    %dma_wait3A_70 = arith.constant 0 : i32
    %dma_wait3A_71 = arith.constant 0 : i32
    %dma_wait3A_72 = tpu.memref_slice %arg3[%dma_wait3A_70, %dma_wait3A_71] : memref<8192x128xf32, #tpu.memory_space<hbm>> -> memref<8192x128xf32, #tpu.memory_space<hbm>>
    tpu.wait_indirect_dma semaphore(%arg12 : memref<!tpu.dma_semaphore, #tpu.memory_space<semaphore_mem>>) src(%dma_wait3A_72 : memref<8192x128xf32, #tpu.memory_space<hbm>>) dst(%dma_wait3A_66 : memref<128x128xf32, #tpu.memory_space<vmem>>)
    %dma_wait3A_73 = arith.constant 3 : i32
    %dma_wait3A_74 = arith.constant 384 : i32
    %dma_wait3A_75 = arith.constant 0 : i32
    %dma_wait3A_76 = tpu.memref_slice %arg9[%dma_wait3A_74, %dma_wait3A_75] : memref<512x128xf32, #tpu.memory_space<vmem>> -> memref<128x128xf32, #tpu.memory_space<vmem>>
    %dma_wait3A_77 = arith.constant 0 : i32
    %dma_wait3A_78 = tpu.memref_slice %arg8[%dma_wait3A_73, %dma_wait3A_77] : memref<4x128xi32, #tpu.memory_space<vmem>> -> memref<1x128xi32, #tpu.memory_space<vmem>>
    %dma_wait3A_79 = tpu.memref_squeeze %dma_wait3A_78 : memref<1x128xi32, #tpu.memory_space<vmem>> -> memref<128xi32, #tpu.memory_space<vmem>>
    %dma_wait3A_80 = arith.constant 0 : i32
    %dma_wait3A_81 = arith.constant 0 : i32
    %dma_wait3A_82 = tpu.memref_slice %arg3[%dma_wait3A_80, %dma_wait3A_81] : memref<8192x128xf32, #tpu.memory_space<hbm>> -> memref<8192x128xf32, #tpu.memory_space<hbm>>
    tpu.wait_indirect_dma semaphore(%arg12 : memref<!tpu.dma_semaphore, #tpu.memory_space<semaphore_mem>>) src(%dma_wait3A_82 : memref<8192x128xf32, #tpu.memory_space<hbm>>) dst(%dma_wait3A_76 : memref<128x128xf32, #tpu.memory_space<vmem>>)
    %mul3A_83 = arith.constant 512 : i32
    %mul3A_84 = arith.muli %add3A, %mul3A_83 : i32
    "tpu.region"() ({
      %run_scoped3A_94 = tpu.sem_alloc : memref<!tpu.dma_semaphore, #tpu.memory_space<semaphore_mem>>
      %dma_start3A_95 = arith.constant 0 : i32
      %dma_start3A_96 = tpu.memref_slice %arg6[%mul3A_84, %dma_start3A_95] : memref<16384x128xf32, #tpu.memory_space<hbm>> -> memref<512x128xf32, #tpu.memory_space<hbm>>
      %dma_start3A_97 = arith.constant 0 : i32
      %dma_start3A_98 = tpu.memref_slice %arg6[%mul3A_84, %dma_start3A_97] : memref<16384x128xf32, #tpu.memory_space<hbm>> -> memref<512x128xf32, #tpu.memory_space<hbm>>
      tpu.enqueue_dma source(%arg9 : memref<512x128xf32, #tpu.memory_space<vmem>>) target(%dma_start3A_98 : memref<512x128xf32, #tpu.memory_space<hbm>>) target_semaphore(%run_scoped3A_94 : memref<!tpu.dma_semaphore, #tpu.memory_space<semaphore_mem>>)
      %dma_wait3A_99 = arith.constant 0 : i32
      %dma_wait3A_100 = tpu.memref_slice %arg6[%mul3A_84, %dma_wait3A_99] : memref<16384x128xf32, #tpu.memory_space<hbm>> -> memref<512x128xf32, #tpu.memory_space<hbm>>
      %dma_wait3A_101 = arith.constant 0 : i32
      %dma_wait3A_102 = tpu.memref_slice %arg6[%mul3A_84, %dma_wait3A_101] : memref<16384x128xf32, #tpu.memory_space<hbm>> -> memref<512x128xf32, #tpu.memory_space<hbm>>
      tpu.wait_dma2 semaphore(%run_scoped3A_94 : memref<!tpu.dma_semaphore, #tpu.memory_space<semaphore_mem>>) src(%arg9 : memref<512x128xf32, #tpu.memory_space<vmem>>) dst(%dma_wait3A_102 : memref<512x128xf32, #tpu.memory_space<hbm>>)
      tpu.yield
    }) : () -> ()
    %barrier3A = arith.constant 0 : index
    tpu.barrier barrier_id(%barrier3A)
    %run_scoped3A = arith.constant 0 : i32
    "tpu.region"() ({
      %run_scoped3A_94 = tpu.sem_alloc : memref<!tpu.dma_semaphore, #tpu.memory_space<semaphore_mem>>
      %dma_start3A_95 = arith.constant 0 : i32
      %dma_start3A_96 = tpu.memref_slice %arg8[%run_scoped3A, %dma_start3A_95] : memref<4x128xi32, #tpu.memory_space<vmem>> -> memref<1x128xi32, #tpu.memory_space<vmem>>
      %dma_start3A_97 = tpu.memref_squeeze %dma_start3A_96 : memref<1x128xi32, #tpu.memory_space<vmem>> -> memref<128xi32, #tpu.memory_space<vmem>>
      %dma_start3A_98 = arith.constant 0 : i32
      %dma_start3A_99 = tpu.memref_slice %arg11[%dma_start3A_98] : memref<8192xf32, #tpu.memory_space<vmem_shared>> -> memref<8192xf32, #tpu.memory_space<vmem_shared>>
      tpu.enqueue_indirect_dma source(%arg10 : memref<128xf32, #tpu.memory_space<vmem>>) target(%dma_start3A_99 : memref<8192xf32, #tpu.memory_space<vmem_shared>>) offsets(%dma_start3A_97 : memref<128xi32, #tpu.memory_space<vmem>>) semaphore(%run_scoped3A_94 : memref<!tpu.dma_semaphore, #tpu.memory_space<semaphore_mem>>) {add = true}
      %dma_wait3A_100 = arith.constant 0 : i32
      %dma_wait3A_101 = tpu.memref_slice %arg8[%run_scoped3A, %dma_wait3A_100] : memref<4x128xi32, #tpu.memory_space<vmem>> -> memref<1x128xi32, #tpu.memory_space<vmem>>
      %dma_wait3A_102 = tpu.memref_squeeze %dma_wait3A_101 : memref<1x128xi32, #tpu.memory_space<vmem>> -> memref<128xi32, #tpu.memory_space<vmem>>
      %dma_wait3A_103 = arith.constant 0 : i32
      %dma_wait3A_104 = tpu.memref_slice %arg11[%dma_wait3A_103] : memref<8192xf32, #tpu.memory_space<vmem_shared>> -> memref<8192xf32, #tpu.memory_space<vmem_shared>>
      tpu.wait_indirect_dma semaphore(%run_scoped3A_94 : memref<!tpu.dma_semaphore, #tpu.memory_space<semaphore_mem>>) src(%arg10 : memref<128xf32, #tpu.memory_space<vmem>>) dst(%dma_wait3A_104 : memref<8192xf32, #tpu.memory_space<vmem_shared>>)
      tpu.yield
    }) : () -> ()
    %run_scoped3A_85 = arith.constant 1 : i32
    "tpu.region"() ({
      %run_scoped3A_94 = tpu.sem_alloc : memref<!tpu.dma_semaphore, #tpu.memory_space<semaphore_mem>>
      %dma_start3A_95 = arith.constant 0 : i32
      %dma_start3A_96 = tpu.memref_slice %arg8[%run_scoped3A_85, %dma_start3A_95] : memref<4x128xi32, #tpu.memory_space<vmem>> -> memref<1x128xi32, #tpu.memory_space<vmem>>
      %dma_start3A_97 = tpu.memref_squeeze %dma_start3A_96 : memref<1x128xi32, #tpu.memory_space<vmem>> -> memref<128xi32, #tpu.memory_space<vmem>>
      %dma_start3A_98 = arith.constant 0 : i32
      %dma_start3A_99 = tpu.memref_slice %arg11[%dma_start3A_98] : memref<8192xf32, #tpu.memory_space<vmem_shared>> -> memref<8192xf32, #tpu.memory_space<vmem_shared>>
      tpu.enqueue_indirect_dma source(%arg10 : memref<128xf32, #tpu.memory_space<vmem>>) target(%dma_start3A_99 : memref<8192xf32, #tpu.memory_space<vmem_shared>>) offsets(%dma_start3A_97 : memref<128xi32, #tpu.memory_space<vmem>>) semaphore(%run_scoped3A_94 : memref<!tpu.dma_semaphore, #tpu.memory_space<semaphore_mem>>) {add = true}
      %dma_wait3A_100 = arith.constant 0 : i32
      %dma_wait3A_101 = tpu.memref_slice %arg8[%run_scoped3A_85, %dma_wait3A_100] : memref<4x128xi32, #tpu.memory_space<vmem>> -> memref<1x128xi32, #tpu.memory_space<vmem>>
      %dma_wait3A_102 = tpu.memref_squeeze %dma_wait3A_101 : memref<1x128xi32, #tpu.memory_space<vmem>> -> memref<128xi32, #tpu.memory_space<vmem>>
      %dma_wait3A_103 = arith.constant 0 : i32
      %dma_wait3A_104 = tpu.memref_slice %arg11[%dma_wait3A_103] : memref<8192xf32, #tpu.memory_space<vmem_shared>> -> memref<8192xf32, #tpu.memory_space<vmem_shared>>
      tpu.wait_indirect_dma semaphore(%run_scoped3A_94 : memref<!tpu.dma_semaphore, #tpu.memory_space<semaphore_mem>>) src(%arg10 : memref<128xf32, #tpu.memory_space<vmem>>) dst(%dma_wait3A_104 : memref<8192xf32, #tpu.memory_space<vmem_shared>>)
      tpu.yield
    }) : () -> ()
    %run_scoped3A_86 = arith.constant 2 : i32
    "tpu.region"() ({
      %run_scoped3A_94 = tpu.sem_alloc : memref<!tpu.dma_semaphore, #tpu.memory_space<semaphore_mem>>
      %dma_start3A_95 = arith.constant 0 : i32
      %dma_start3A_96 = tpu.memref_slice %arg8[%run_scoped3A_86, %dma_start3A_95] : memref<4x128xi32, #tpu.memory_space<vmem>> -> memref<1x128xi32, #tpu.memory_space<vmem>>
      %dma_start3A_97 = tpu.memref_squeeze %dma_start3A_96 : memref<1x128xi32, #tpu.memory_space<vmem>> -> memref<128xi32, #tpu.memory_space<vmem>>
      %dma_start3A_98 = arith.constant 0 : i32
      %dma_start3A_99 = tpu.memref_slice %arg11[%dma_start3A_98] : memref<8192xf32, #tpu.memory_space<vmem_shared>> -> memref<8192xf32, #tpu.memory_space<vmem_shared>>
      tpu.enqueue_indirect_dma source(%arg10 : memref<128xf32, #tpu.memory_space<vmem>>) target(%dma_start3A_99 : memref<8192xf32, #tpu.memory_space<vmem_shared>>) offsets(%dma_start3A_97 : memref<128xi32, #tpu.memory_space<vmem>>) semaphore(%run_scoped3A_94 : memref<!tpu.dma_semaphore, #tpu.memory_space<semaphore_mem>>) {add = true}
      %dma_wait3A_100 = arith.constant 0 : i32
      %dma_wait3A_101 = tpu.memref_slice %arg8[%run_scoped3A_86, %dma_wait3A_100] : memref<4x128xi32, #tpu.memory_space<vmem>> -> memref<1x128xi32, #tpu.memory_space<vmem>>
      %dma_wait3A_102 = tpu.memref_squeeze %dma_wait3A_101 : memref<1x128xi32, #tpu.memory_space<vmem>> -> memref<128xi32, #tpu.memory_space<vmem>>
      %dma_wait3A_103 = arith.constant 0 : i32
      %dma_wait3A_104 = tpu.memref_slice %arg11[%dma_wait3A_103] : memref<8192xf32, #tpu.memory_space<vmem_shared>> -> memref<8192xf32, #tpu.memory_space<vmem_shared>>
      tpu.wait_indirect_dma semaphore(%run_scoped3A_94 : memref<!tpu.dma_semaphore, #tpu.memory_space<semaphore_mem>>) src(%arg10 : memref<128xf32, #tpu.memory_space<vmem>>) dst(%dma_wait3A_104 : memref<8192xf32, #tpu.memory_space<vmem_shared>>)
      tpu.yield
    }) : () -> ()
    %run_scoped3A_87 = arith.constant 3 : i32
    "tpu.region"() ({
      %run_scoped3A_94 = tpu.sem_alloc : memref<!tpu.dma_semaphore, #tpu.memory_space<semaphore_mem>>
      %dma_start3A_95 = arith.constant 0 : i32
      %dma_start3A_96 = tpu.memref_slice %arg8[%run_scoped3A_87, %dma_start3A_95] : memref<4x128xi32, #tpu.memory_space<vmem>> -> memref<1x128xi32, #tpu.memory_space<vmem>>
      %dma_start3A_97 = tpu.memref_squeeze %dma_start3A_96 : memref<1x128xi32, #tpu.memory_space<vmem>> -> memref<128xi32, #tpu.memory_space<vmem>>
      %dma_start3A_98 = arith.constant 0 : i32
      %dma_start3A_99 = tpu.memref_slice %arg11[%dma_start3A_98] : memref<8192xf32, #tpu.memory_space<vmem_shared>> -> memref<8192xf32, #tpu.memory_space<vmem_shared>>
      tpu.enqueue_indirect_dma source(%arg10 : memref<128xf32, #tpu.memory_space<vmem>>) target(%dma_start3A_99 : memref<8192xf32, #tpu.memory_space<vmem_shared>>) offsets(%dma_start3A_97 : memref<128xi32, #tpu.memory_space<vmem>>) semaphore(%run_scoped3A_94 : memref<!tpu.dma_semaphore, #tpu.memory_space<semaphore_mem>>) {add = true}
      %dma_wait3A_100 = arith.constant 0 : i32
      %dma_wait3A_101 = tpu.memref_slice %arg8[%run_scoped3A_87, %dma_wait3A_100] : memref<4x128xi32, #tpu.memory_space<vmem>> -> memref<1x128xi32, #tpu.memory_space<vmem>>
      %dma_wait3A_102 = tpu.memref_squeeze %dma_wait3A_101 : memref<1x128xi32, #tpu.memory_space<vmem>> -> memref<128xi32, #tpu.memory_space<vmem>>
      %dma_wait3A_103 = arith.constant 0 : i32
      %dma_wait3A_104 = tpu.memref_slice %arg11[%dma_wait3A_103] : memref<8192xf32, #tpu.memory_space<vmem_shared>> -> memref<8192xf32, #tpu.memory_space<vmem_shared>>
      tpu.wait_indirect_dma semaphore(%run_scoped3A_94 : memref<!tpu.dma_semaphore, #tpu.memory_space<semaphore_mem>>) src(%arg10 : memref<128xf32, #tpu.memory_space<vmem>>) dst(%dma_wait3A_104 : memref<8192xf32, #tpu.memory_space<vmem_shared>>)
      tpu.yield
    }) : () -> ()
    %barrier3A_88 = arith.constant 0 : index
    tpu.barrier barrier_id(%barrier3A_88)
    %eq3A_89 = arith.constant 0 : i32
    %eq3A_90 = arith.cmpi eq, %arg1, %eq3A_89 : i32
    %convert_element_type3A_91 = arith.extui %eq3A_90 : i1 to i32
    %cond3A_92 = arith.constant 0 : i32
    %cond3A_93 = arith.cmpi ne, %convert_element_type3A_91, %cond3A_92 : i32
    scf.if %cond3A_93 {
      "tpu.region"() ({
        %run_scoped3A_94 = tpu.sem_alloc : memref<!tpu.dma_semaphore, #tpu.memory_space<semaphore_mem>>
        %dma_start3A_95 = arith.constant 0 : i32
        %dma_start3A_96 = tpu.memref_slice %arg7[%arg0, %dma_start3A_95] : memref<2x8192xf32, #tpu.memory_space<hbm>> -> memref<1x8192xf32, #tpu.memory_space<hbm>>
        %dma_start3A_97 = tpu.memref_squeeze %dma_start3A_96 : memref<1x8192xf32, #tpu.memory_space<hbm>> -> memref<8192xf32, #tpu.memory_space<hbm>>
        tpu.enqueue_dma source(%arg11 : memref<8192xf32, #tpu.memory_space<vmem_shared>>) target(%dma_start3A_97 : memref<8192xf32, #tpu.memory_space<hbm>>) target_semaphore(%run_scoped3A_94 : memref<!tpu.dma_semaphore, #tpu.memory_space<semaphore_mem>>)
        %dma_wait3A_98 = arith.constant 0 : i32
        %dma_wait3A_99 = tpu.memref_slice %arg7[%arg0, %dma_wait3A_98] : memref<2x8192xf32, #tpu.memory_space<hbm>> -> memref<1x8192xf32, #tpu.memory_space<hbm>>
        %dma_wait3A_100 = tpu.memref_squeeze %dma_wait3A_99 : memref<1x8192xf32, #tpu.memory_space<hbm>> -> memref<8192xf32, #tpu.memory_space<hbm>>
        tpu.wait_dma2 semaphore(%run_scoped3A_94 : memref<!tpu.dma_semaphore, #tpu.memory_space<semaphore_mem>>) src(%arg11 : memref<8192xf32, #tpu.memory_space<vmem_shared>>) dst(%dma_wait3A_100 : memref<8192xf32, #tpu.memory_space<hbm>>)
        tpu.yield
      }) : () -> ()
    } else {
    }
    return
  }
}

module attributes {stable_mosaic.version = 14 : i64} {
  func.func @_prologue_body(%arg0: i32, %arg1: memref<1024x32xf32, #tpu.memory_space<vmem>>, %arg2: memref<1024x128xf32, #tpu.memory_space<vmem>>, %arg3: memref<1024x32xbf16, #tpu.memory_space<vmem>>, %arg4: memref<1x1024x1xf32, #tpu.memory_space<vmem>>) attributes {dimension_semantics = [#tpu.dimension_semantics<arbitrary>], iteration_bounds = array<i64: 8>, scalar_prefetch = 0 : i64, scratch_operands = 0 : i64, tpu.core_type = #tpu.core_type<tc>, window_params = [{transform_indices = @transform_0, window_bounds = array<i64: 1024, 32>}, {transform_indices = @transform_1, window_bounds = array<i64: 1024, 128>}, {transform_indices = @transform_2, window_bounds = array<i64: 1024, 32>}, {transform_indices = @transform_3, window_bounds = array<i64: 1, 1024, 1>}]} {
    %get3A = arith.constant 0 : index
    %get3A_0 = arith.constant 0 : index
    %get3A_1 = vector.load %arg1[%get3A, %get3A_0] : memref<1024x32xf32, #tpu.memory_space<vmem>>, vector<1024x32xf32>
    %mul3A = arith.mulf %get3A_1, %get3A_1 : vector<1024x32xf32>
    %reduce_sum3A = arith.constant dense<0.000000e+00> : vector<1024xf32>
    %reduce_sum3A_2 = vector.multi_reduction <add>, %mul3A, %reduce_sum3A [1] : vector<1024x32xf32> to vector<1024xf32>
    %broadcast_in_dim3A = vector.shape_cast %reduce_sum3A_2 : vector<1024xf32> to vector<1024x1xf32>
    %sqrt3A = math.sqrt %broadcast_in_dim3A : vector<1024x1xf32>
    %max3A = arith.constant 9.99999996E-13 : f32
    %max3A_3 = vector.broadcast %max3A : f32 to vector<1024x1xf32>
    %max3A_4 = arith.maximumf %sqrt3A, %max3A_3 : vector<1024x1xf32>
    %div3A = vector.broadcast %max3A_4 : vector<1024x1xf32> to vector<1024x32xf32>
    %div3A_5 = arith.divf %get3A_1, %div3A : vector<1024x32xf32>
    %swap3A = arith.constant 0 : index
    %swap3A_6 = arith.constant 0 : index
    %swap3A_7 = vector.load %arg2[%swap3A, %swap3A_6] : memref<1024x128xf32, #tpu.memory_space<vmem>>, vector<1024x32xf32>
    tpu.vector_store %arg2[%swap3A, %swap3A_6], %div3A_5 {strides = array<i32>} : memref<1024x128xf32, #tpu.memory_space<vmem>>, vector<1024x32xf32>,
    %mul3A_8 = arith.constant -2.000000e+00 : f32
    %mul3A_9 = vector.broadcast %mul3A_8 : f32 to vector<1024x32xf32>
    %mul3A_10 = arith.mulf %div3A_5, %mul3A_9 : vector<1024x32xf32>
    %convert_element_type3A = arith.truncf %mul3A_10 : vector<1024x32xf32> to vector<1024x32xbf16>
    %swap3A_11 = arith.constant 0 : index
    %swap3A_12 = arith.constant 0 : index
    %swap3A_13 = vector.load %arg3[%swap3A_11, %swap3A_12] : memref<1024x32xbf16, #tpu.memory_space<vmem>>, vector<1024x32xbf16>
    tpu.vector_store %arg3[%swap3A_11, %swap3A_12], %convert_element_type3A {strides = array<i32>} : memref<1024x32xbf16, #tpu.memory_space<vmem>>, vector<1024x32xbf16>,
    %mul3A_14 = arith.mulf %div3A_5, %div3A_5 : vector<1024x32xf32>
    %reduce_sum3A_15 = arith.constant dense<0.000000e+00> : vector<1024xf32>
    %reduce_sum3A_16 = vector.multi_reduction <add>, %mul3A_14, %reduce_sum3A_15 [1] : vector<1024x32xf32> to vector<1024xf32>
    %broadcast_in_dim3A_17 = vector.shape_cast %reduce_sum3A_16 : vector<1024xf32> to vector<1024x1xf32>
    %reshape3A = vector.shape_cast %broadcast_in_dim3A_17 : vector<1024x1xf32> to vector<1x1024x1xf32>
    %swap3A_18 = arith.constant 0 : index
    %swap3A_19 = arith.constant 0 : index
    %swap3A_20 = arith.constant 0 : index
    %swap3A_21 = vector.load %arg4[%swap3A_18, %swap3A_19, %swap3A_20] : memref<1x1024x1xf32, #tpu.memory_space<vmem>>, vector<1x1024x1xf32>
    tpu.vector_store %arg4[%swap3A_18, %swap3A_19, %swap3A_20], %reshape3A {strides = array<i32>} : memref<1x1024x1xf32, #tpu.memory_space<vmem>>, vector<1x1024x1xf32>,
    return
  }
  func.func @transform_0(%arg0: i32) -> (i32, i32) {
    %c0_i32 = arith.constant 0 : i32
    %c0_i32_0 = arith.constant 0 : i32
    return %arg0, %c0_i32 : i32, i32
  }
  func.func @transform_1(%arg0: i32) -> (i32, i32) {
    %c0_i32 = arith.constant 0 : i32
    %c0_i32_0 = arith.constant 0 : i32
    return %arg0, %c0_i32 : i32, i32
  }
  func.func @transform_2(%arg0: i32) -> (i32, i32) {
    %c0_i32 = arith.constant 0 : i32
    %c0_i32_0 = arith.constant 0 : i32
    return %arg0, %c0_i32 : i32, i32
  }
  func.func @transform_3(%arg0: i32) -> (i32, i32, i32) {
    %c0_i32 = arith.constant 0 : i32
    %c0_i32_0 = arith.constant 0 : i32
    %c0_i32_1 = arith.constant 0 : i32
    return %arg0, %c0_i32, %c0_i32_0 : i32, i32, i32
  }
}

module attributes {stable_mosaic.version = 14 : i64} {
  func.func @_phase_a_body(%arg0: i32, %arg1: i32, %arg2: memref<2x64x32x32xf32, #tpu.memory_space<vmem>>, %arg3: memref<32x64xf32, #tpu.memory_space<vmem>>, %arg4: memref<32x1xf32, #tpu.memory_space<vmem>>, %arg5: memref<1024x32xbf16, #tpu.memory_space<vmem>>, %arg6: memref<1x1024x1xf32, #tpu.memory_space<vmem>>, %arg7: memref<2x1x1024xi32, #tpu.memory_space<vmem>>, %arg8: memref<1x128xf32, #tpu.memory_space<vmem>>, %arg9: memref<32x2048xbf16, #tpu.memory_space<vmem>>, %arg10: memref<1x2048xf32, #tpu.memory_space<vmem>>, %arg11: memref<1x2048xf32, #tpu.memory_space<vmem>>, %arg12: memref<1x2048xi32, #tpu.memory_space<vmem>>) attributes {dimension_semantics = [#tpu.dimension_semantics<arbitrary>, #tpu.dimension_semantics<arbitrary>], iteration_bounds = array<i64: 8, 8>, scalar_prefetch = 0 : i64, scratch_operands = 4 : i64, tpu.core_type = #tpu.core_type<tc>, window_params = [{transform_indices = @transform_0, window_bounds = array<i64: 2, 64, 32, 32>}, {pipeline_mode = #tpu.pipeline_mode<synchronous>, transform_indices = @transform_1, window_bounds = array<i64: 32, 64>}, {pipeline_mode = #tpu.pipeline_mode<synchronous>, transform_indices = @transform_2, window_bounds = array<i64: 32, 1>}, {transform_indices = @transform_3, window_bounds = array<i64: 1024, 32>}, {transform_indices = @transform_4, window_bounds = array<i64: 1, 1024, 1>}, {transform_indices = @transform_5, window_bounds = array<i64: 2, 1, 1024>}, {pipeline_mode = #tpu.pipeline_mode<synchronous>, transform_indices = @transform_6, window_bounds = array<i64: 1, 128>}]} {
    %eq3A = arith.constant 0 : i32
    %eq3A_0 = arith.cmpi eq, %arg0, %eq3A : i32
    %eq3A_1 = arith.constant 0 : i32
    %eq3A_2 = arith.cmpi eq, %arg1, %eq3A_1 : i32
    %and3A = arith.andi %eq3A_0, %eq3A_2 : i1
    %convert_element_type3A = arith.extui %and3A : i1 to i32
    %cond3A = arith.constant 0 : i32
    %cond3A_3 = arith.cmpi ne, %convert_element_type3A, %cond3A : i32
    scf.if %cond3A_3 {
      %broadcast_in_dim3A_50 = arith.constant 0.000000e+00 : f32
      %broadcast_in_dim3A_51 = vector.broadcast %broadcast_in_dim3A_50 : f32 to vector<1x128xf32>
      %swap3A = arith.constant 0 : index
      %swap3A_52 = arith.constant 0 : index
      %swap3A_53 = vector.load %arg8[%swap3A, %swap3A_52] : memref<1x128xf32, #tpu.memory_space<vmem>>, vector<1x128xf32>
      tpu.vector_store %arg8[%swap3A, %swap3A_52], %broadcast_in_dim3A_51 {strides = array<i32>} : memref<1x128xf32, #tpu.memory_space<vmem>>, vector<1x128xf32>,
    } else {
    }
    %eq3A_4 = arith.constant 0 : i32
    %eq3A_5 = arith.cmpi eq, %arg1, %eq3A_4 : i32
    %convert_element_type3A_6 = arith.extui %eq3A_5 : i1 to i32
    %cond3A_7 = arith.constant 0 : i32
    %cond3A_8 = arith.cmpi ne, %convert_element_type3A_6, %cond3A_7 : i32
    scf.if %cond3A_8 {
      %get3A_50 = arith.constant 0 : index
      %get3A_51 = arith.constant 0 : index
      %get3A_52 = arith.constant 0 : index
      %get3A_53 = arith.constant 0 : index
      %get3A_54 = vector.load %arg2[%get3A_50, %get3A_51, %get3A_52, %get3A_53] : memref<2x64x32x32xf32, #tpu.memory_space<vmem>>, vector<1x64x32x32xf32>
      %get3A_55 = vector.shape_cast %get3A_54 : vector<1x64x32x32xf32> to vector<64x32x32xf32>
      %reshape3A_56 = vector.shape_cast %get3A_55 : vector<64x32x32xf32> to vector<64x1024xf32>
      %get3A_57 = arith.constant 1 : index
      %get3A_58 = arith.constant 0 : index
      %get3A_59 = arith.constant 0 : index
      %get3A_60 = arith.constant 0 : index
      %get3A_61 = vector.load %arg2[%get3A_57, %get3A_58, %get3A_59, %get3A_60] : memref<2x64x32x32xf32, #tpu.memory_space<vmem>>, vector<1x64x32x32xf32>
      %get3A_62 = vector.shape_cast %get3A_61 : vector<1x64x32x32xf32> to vector<64x32x32xf32>
      %reshape3A_63 = vector.shape_cast %get3A_62 : vector<64x32x32xf32> to vector<64x1024xf32>
      %concatenate3A = tpu.concatenate %reshape3A_56, %reshape3A_63 in 1 : vector<64x1024xf32>, vector<64x1024xf32> -> vector<64x2048xf32>
      %get3A_64 = arith.constant 0 : index
      %get3A_65 = arith.constant 0 : index
      %get3A_66 = vector.load %arg3[%get3A_64, %get3A_65] : memref<32x64xf32, #tpu.memory_space<vmem>>, vector<32x64xf32>
      %convert_element_type3A_67 = arith.truncf %get3A_66 : vector<32x64xf32> to vector<32x64xbf16>
      %convert_element_type3A_68 = arith.truncf %concatenate3A : vector<64x2048xf32> to vector<64x2048xbf16>
      %dot_general3A_69 = arith.constant dense<0.000000e+00> : vector<32x2048xf32>
      %dot_general3A_70 = tpu.matmul %convert_element_type3A_67, %convert_element_type3A_68, %dot_general3A_69 {dimension_numbers = #tpu.dot_dimension_numbers<[1], [0], [0], [1], [0, 0, 1, 1], [], []>, transpose_lhs_hint = false} : vector<32x64xbf16>, vector<64x2048xbf16>, vector<32x2048xf32> -> vector<32x2048xf32>
      %get3A_71 = arith.constant 0 : index
      %get3A_72 = arith.constant 0 : index
      %get3A_73 = vector.load %arg4[%get3A_71, %get3A_72] : memref<32x1xf32, #tpu.memory_space<vmem>>, vector<32x1xf32>
      %add3A_74 = vector.broadcast %get3A_73 : vector<32x1xf32> to vector<32x2048xf32>
      %add3A_75 = arith.addf %dot_general3A_70, %add3A_74 : vector<32x2048xf32>
      %mul3A_76 = arith.mulf %add3A_75, %add3A_75 : vector<32x2048xf32>
      %reduce_sum3A = arith.constant dense<0.000000e+00> : vector<2048xf32>
      %reduce_sum3A_77 = vector.multi_reduction <add>, %mul3A_76, %reduce_sum3A [0] : vector<32x2048xf32> to vector<2048xf32>
      %broadcast_in_dim3A_78 = vector.shape_cast %reduce_sum3A_77 : vector<2048xf32> to vector<1x2048xf32>
      %sqrt3A_79 = math.sqrt %broadcast_in_dim3A_78 : vector<1x2048xf32>
      %max3A_80 = arith.constant 9.99999996E-13 : f32
      %max3A_81 = vector.broadcast %max3A_80 : f32 to vector<1x2048xf32>
      %max3A_82 = arith.maximumf %sqrt3A_79, %max3A_81 : vector<1x2048xf32>
      %div3A = vector.broadcast %max3A_82 : vector<1x2048xf32> to vector<32x2048xf32>
      %div3A_83 = arith.divf %add3A_75, %div3A : vector<32x2048xf32>
      %convert_element_type3A_84 = arith.truncf %div3A_83 : vector<32x2048xf32> to vector<32x2048xbf16>
      %swap3A = arith.constant 0 : index
      %swap3A_85 = arith.constant 0 : index
      %swap3A_86 = vector.load %arg9[%swap3A, %swap3A_85] : memref<32x2048xbf16, #tpu.memory_space<vmem>>, vector<32x2048xbf16>
      tpu.vector_store %arg9[%swap3A, %swap3A_85], %convert_element_type3A_84 {strides = array<i32>} : memref<32x2048xbf16, #tpu.memory_space<vmem>>, vector<32x2048xbf16>,
      %mul3A_87 = arith.mulf %div3A_83, %div3A_83 : vector<32x2048xf32>
      %reduce_sum3A_88 = arith.constant dense<0.000000e+00> : vector<2048xf32>
      %reduce_sum3A_89 = vector.multi_reduction <add>, %mul3A_87, %reduce_sum3A_88 [0] : vector<32x2048xf32> to vector<2048xf32>
      %broadcast_in_dim3A_90 = vector.shape_cast %reduce_sum3A_89 : vector<2048xf32> to vector<1x2048xf32>
      %swap3A_91 = arith.constant 0 : index
      %swap3A_92 = arith.constant 0 : index
      %swap3A_93 = vector.load %arg10[%swap3A_91, %swap3A_92] : memref<1x2048xf32, #tpu.memory_space<vmem>>, vector<1x2048xf32>
      tpu.vector_store %arg10[%swap3A_91, %swap3A_92], %broadcast_in_dim3A_90 {strides = array<i32>} : memref<1x2048xf32, #tpu.memory_space<vmem>>, vector<1x2048xf32>,
    } else {
    }
    %get3A = arith.constant 0 : index
    %get3A_9 = arith.constant 0 : index
    %get3A_10 = vector.load %arg5[%get3A, %get3A_9] : memref<1024x32xbf16, #tpu.memory_space<vmem>>, vector<1024x32xbf16>
    %get3A_11 = arith.constant 0 : index
    %get3A_12 = arith.constant 0 : index
    %get3A_13 = vector.load %arg9[%get3A_11, %get3A_12] : memref<32x2048xbf16, #tpu.memory_space<vmem>>, vector<32x2048xbf16>
    %dot_general3A = arith.constant dense<0.000000e+00> : vector<1024x2048xf32>
    %dot_general3A_14 = tpu.matmul %get3A_10, %get3A_13, %dot_general3A {dimension_numbers = #tpu.dot_dimension_numbers<[1], [0], [0], [1], [0, 0, 1, 1], [], []>, transpose_lhs_hint = false} : vector<1024x32xbf16>, vector<32x2048xbf16>, vector<1024x2048xf32> -> vector<1024x2048xf32>
    %get3A_15 = arith.constant 0 : index
    %get3A_16 = arith.constant 0 : index
    %get3A_17 = arith.constant 0 : index
    %get3A_18 = vector.load %arg6[%get3A_15, %get3A_16, %get3A_17] : memref<1x1024x1xf32, #tpu.memory_space<vmem>>, vector<1x1024x1xf32>
    %get3A_19 = vector.shape_cast %get3A_18 : vector<1x1024x1xf32> to vector<1024x1xf32>
    %add3A = vector.broadcast %get3A_19 : vector<1024x1xf32> to vector<1024x2048xf32>
    %add3A_20 = arith.addf %add3A, %dot_general3A_14 : vector<1024x2048xf32>
    %reduce_min3A = arith.constant dense<0x7F800000> : vector<2048xf32>
    %reduce_min3A_21 = vector.multi_reduction <minimumf>, %add3A_20, %reduce_min3A [0] : vector<1024x2048xf32> to vector<2048xf32>
    %broadcast_in_dim3A = vector.shape_cast %reduce_min3A_21 : vector<2048xf32> to vector<1x2048xf32>
    %argmin3A = tpu.reduce_index %add3A_20 {axis = 0 : i32, kind = #tpu.reduction_kind<arg_min>} : vector<1024x2048xf32> -> vector<2048xi32>
    %reshape3A = vector.shape_cast %argmin3A : vector<2048xi32> to vector<1x2048xi32>
    %mul3A = arith.constant 1024 : i32
    %mul3A_22 = arith.muli %arg1, %mul3A : i32
    %add3A_23 = vector.broadcast %mul3A_22 : i32 to vector<1x2048xi32>
    %add3A_24 = arith.addi %reshape3A, %add3A_23 : vector<1x2048xi32>
    %get3A_25 = arith.constant 0 : index
    %get3A_26 = arith.constant 0 : index
    %get3A_27 = vector.load %arg10[%get3A_25, %get3A_26] : memref<1x2048xf32, #tpu.memory_space<vmem>>, vector<1x2048xf32>
    %add3A_28 = arith.addf %get3A_27, %broadcast_in_dim3A : vector<1x2048xf32>
    %max3A = arith.constant 0.000000e+00 : f32
    %max3A_29 = vector.broadcast %max3A : f32 to vector<1x2048xf32>
    %max3A_30 = arith.maximumf %add3A_28, %max3A_29 : vector<1x2048xf32>
    %sqrt3A = math.sqrt %max3A_30 : vector<1x2048xf32>
    %eq3A_31 = arith.constant 0 : i32
    %eq3A_32 = arith.cmpi eq, %arg1, %eq3A_31 : i32
    %convert_element_type3A_33 = arith.extui %eq3A_32 : i1 to i32
    %cond3A_34 = arith.constant 0 : i32
    %cond3A_35 = arith.cmpi ne, %convert_element_type3A_33, %cond3A_34 : i32
    scf.if %cond3A_35 {
      %swap3A = arith.constant 0 : index
      %swap3A_50 = arith.constant 0 : index
      %swap3A_51 = vector.load %arg11[%swap3A, %swap3A_50] : memref<1x2048xf32, #tpu.memory_space<vmem>>, vector<1x2048xf32>
      tpu.vector_store %arg11[%swap3A, %swap3A_50], %sqrt3A {strides = array<i32>} : memref<1x2048xf32, #tpu.memory_space<vmem>>, vector<1x2048xf32>,
      %swap3A_52 = arith.constant 0 : index
      %swap3A_53 = arith.constant 0 : index
      %swap3A_54 = vector.load %arg12[%swap3A_52, %swap3A_53] : memref<1x2048xi32, #tpu.memory_space<vmem>>, vector<1x2048xi32>
      tpu.vector_store %arg12[%swap3A_52, %swap3A_53], %add3A_24 {strides = array<i32>} : memref<1x2048xi32, #tpu.memory_space<vmem>>, vector<1x2048xi32>,
    } else {
    }
    %gt3A = arith.constant 0 : i32
    %gt3A_36 = arith.cmpi sgt, %arg1, %gt3A : i32
    %convert_element_type3A_37 = arith.extui %gt3A_36 : i1 to i32
    %cond3A_38 = arith.constant 0 : i32
    %cond3A_39 = arith.cmpi ne, %convert_element_type3A_37, %cond3A_38 : i32
    scf.if %cond3A_39 {
      %get3A_50 = arith.constant 0 : index
      %get3A_51 = arith.constant 0 : index
      %get3A_52 = vector.load %arg11[%get3A_50, %get3A_51] : memref<1x2048xf32, #tpu.memory_space<vmem>>, vector<1x2048xf32>
      %lt3A = arith.cmpf olt, %sqrt3A, %get3A_52 : vector<1x2048xf32>
      %get3A_53 = arith.constant 0 : index
      %get3A_54 = arith.constant 0 : index
      %get3A_55 = vector.load %arg11[%get3A_53, %get3A_54] : memref<1x2048xf32, #tpu.memory_space<vmem>>, vector<1x2048xf32>
      %select_n3A = arith.select %lt3A, %sqrt3A, %get3A_55 : vector<1x2048xi1>, vector<1x2048xf32>
      %swap3A = arith.constant 0 : index
      %swap3A_56 = arith.constant 0 : index
      %swap3A_57 = vector.load %arg11[%swap3A, %swap3A_56] : memref<1x2048xf32, #tpu.memory_space<vmem>>, vector<1x2048xf32>
      tpu.vector_store %arg11[%swap3A, %swap3A_56], %select_n3A {strides = array<i32>} : memref<1x2048xf32, #tpu.memory_space<vmem>>, vector<1x2048xf32>,
      %get3A_58 = arith.constant 0 : index
      %get3A_59 = arith.constant 0 : index
      %get3A_60 = vector.load %arg12[%get3A_58, %get3A_59] : memref<1x2048xi32, #tpu.memory_space<vmem>>, vector<1x2048xi32>
      %select_n3A_61 = arith.select %lt3A, %add3A_24, %get3A_60 : vector<1x2048xi1>, vector<1x2048xi32>
      %swap3A_62 = arith.constant 0 : index
      %swap3A_63 = arith.constant 0 : index
      %swap3A_64 = vector.load %arg12[%swap3A_62, %swap3A_63] : memref<1x2048xi32, #tpu.memory_space<vmem>>, vector<1x2048xi32>
      tpu.vector_store %arg12[%swap3A_62, %swap3A_63], %select_n3A_61 {strides = array<i32>} : memref<1x2048xi32, #tpu.memory_space<vmem>>, vector<1x2048xi32>,
    } else {
    }
    %eq3A_40 = arith.constant 3 : i32
    %eq3A_41 = arith.cmpi eq, %arg1, %eq3A_40 : i32
    %convert_element_type3A_42 = arith.extui %eq3A_41 : i1 to i32
    %cond3A_43 = arith.constant 0 : i32
    %cond3A_44 = arith.cmpi ne, %convert_element_type3A_42, %cond3A_43 : i32
    scf.if %cond3A_44 {
      %get3A_50 = arith.constant 0 : index
      %get3A_51 = arith.constant 0 : index
      %get3A_52 = vector.load %arg11[%get3A_50, %get3A_51] : memref<1x2048xf32, #tpu.memory_space<vmem>>, vector<1x2048xf32>
      %convert_element_type3A_53 = arith.truncf %get3A_52 : vector<1x2048xf32> to vector<1x2048xbf16>
      %convert_element_type3A_54 = arith.extf %convert_element_type3A_53 : vector<1x2048xbf16> to vector<1x2048xf32>
      %swap3A = arith.constant 0 : index
      %swap3A_55 = arith.constant 0 : index
      %swap3A_56 = vector.load %arg11[%swap3A, %swap3A_55] : memref<1x2048xf32, #tpu.memory_space<vmem>>, vector<1x2048xf32>
      tpu.vector_store %arg11[%swap3A, %swap3A_55], %convert_element_type3A_54 {strides = array<i32>} : memref<1x2048xf32, #tpu.memory_space<vmem>>, vector<1x2048xf32>,
    } else {
    }
    %eq3A_45 = arith.constant 7 : i32
    %eq3A_46 = arith.cmpi eq, %arg1, %eq3A_45 : i32
    %convert_element_type3A_47 = arith.extui %eq3A_46 : i1 to i32
    %cond3A_48 = arith.constant 0 : i32
    %cond3A_49 = arith.cmpi ne, %convert_element_type3A_47, %cond3A_48 : i32
    scf.if %cond3A_49 {
      %get3A_50 = arith.constant 0 : index
      %get3A_51 = arith.constant 0 : index
      %get3A_52 = vector.load %arg12[%get3A_50, %get3A_51] : memref<1x2048xi32, #tpu.memory_space<vmem>>, vector<1x2048xi32>
      %reshape3A_53 = vector.shape_cast %get3A_52 : vector<1x2048xi32> to vector<2x1x1024xi32>
      %swap3A = arith.constant 0 : index
      %swap3A_54 = arith.constant 0 : index
      %swap3A_55 = arith.constant 0 : index
      %swap3A_56 = vector.load %arg7[%swap3A, %swap3A_54, %swap3A_55] : memref<2x1x1024xi32, #tpu.memory_space<vmem>>, vector<2x1x1024xi32>
      tpu.vector_store %arg7[%swap3A, %swap3A_54, %swap3A_55], %reshape3A_53 {strides = array<i32>} : memref<2x1x1024xi32, #tpu.memory_space<vmem>>, vector<2x1x1024xi32>,
      %get3A_57 = arith.constant 0 : index
      %get3A_58 = arith.constant 0 : index
      %get3A_59 = vector.load %arg11[%get3A_57, %get3A_58] : memref<1x2048xf32, #tpu.memory_space<vmem>>, vector<1x2048xf32>
      %integer_pow3A = arith.mulf %get3A_59, %get3A_59 : vector<1x2048xf32>
      %reduce_sum3A = vector.shape_cast %integer_pow3A : vector<1x2048xf32> to vector<1x1x2048xf32>
      %reduce_sum3A_60 = arith.constant dense<0.000000e+00> : vector<1xf32>
      %reduce_sum3A_61 = vector.multi_reduction <add>, %reduce_sum3A, %reduce_sum3A_60 [1, 2] : vector<1x1x2048xf32> to vector<1xf32>
      %reduce_sum3A_62 = vector.shape_cast %reduce_sum3A_61 : vector<1xf32> to vector<1x1x1xf32>
      %reduce_sum3A_63 = vector.extract %reduce_sum3A_62[0, 0, 0] : f32 from vector<1x1x1xf32>
      %get3A_64 = arith.constant 0 : index
      %get3A_65 = arith.constant 0 : index
      %get3A_66 = vector.load %arg8[%get3A_64, %get3A_65] : memref<1x128xf32, #tpu.memory_space<vmem>>, vector<1x128xf32>
      %add3A_67 = vector.broadcast %reduce_sum3A_63 : f32 to vector<1x128xf32>
      %add3A_68 = arith.addf %get3A_66, %add3A_67 : vector<1x128xf32>
      %eq3A_69 = arith.constant 7 : i32
      %eq3A_70 = arith.cmpi eq, %arg0, %eq3A_69 : i32
      %mul3A_71 = arith.constant 4.76837158E-7 : f32
      %mul3A_72 = vector.broadcast %mul3A_71 : f32 to vector<1x128xf32>
      %mul3A_73 = arith.mulf %add3A_68, %mul3A_72 : vector<1x128xf32>
      %select_n3A = arith.select %eq3A_70, %mul3A_73, %add3A_68 : vector<1x128xf32>
      %swap3A_74 = arith.constant 0 : index
      %swap3A_75 = arith.constant 0 : index
      %swap3A_76 = vector.load %arg8[%swap3A_74, %swap3A_75] : memref<1x128xf32, #tpu.memory_space<vmem>>, vector<1x128xf32>
      tpu.vector_store %arg8[%swap3A_74, %swap3A_75], %select_n3A {strides = array<i32>} : memref<1x128xf32, #tpu.memory_space<vmem>>, vector<1x128xf32>,
    } else {
    }
    return
  }
  func.func @transform_0(%arg0: i32, %arg1: i32) -> (i32, i32, i32, i32) {
    %c0_i32 = arith.constant 0 : i32
    %c0_i32_0 = arith.constant 0 : i32
    %c0_i32_1 = arith.constant 0 : i32
    %c0_i32_2 = arith.constant 0 : i32
    return %arg0, %c0_i32, %c0_i32_0, %c0_i32_1 : i32, i32, i32, i32
  }
  func.func @transform_1(%arg0: i32, %arg1: i32) -> (i32, i32) {
    %c0_i32 = arith.constant 0 : i32
    %c0_i32_0 = arith.constant 0 : i32
    %c0_i32_1 = arith.constant 0 : i32
    return %c0_i32, %c0_i32_0 : i32, i32
  }
  func.func @transform_2(%arg0: i32, %arg1: i32) -> (i32, i32) {
    %c0_i32 = arith.constant 0 : i32
    %c0_i32_0 = arith.constant 0 : i32
    %c0_i32_1 = arith.constant 0 : i32
    return %c0_i32, %c0_i32_0 : i32, i32
  }
  func.func @transform_3(%arg0: i32, %arg1: i32) -> (i32, i32) {
    %c0_i32 = arith.constant 0 : i32
    %c0_i32_0 = arith.constant 0 : i32
    return %arg1, %c0_i32 : i32, i32
  }
  func.func @transform_4(%arg0: i32, %arg1: i32) -> (i32, i32, i32) {
    %c0_i32 = arith.constant 0 : i32
    %c0_i32_0 = arith.constant 0 : i32
    %c0_i32_1 = arith.constant 0 : i32
    return %arg1, %c0_i32, %c0_i32_0 : i32, i32, i32
  }
  func.func @transform_5(%arg0: i32, %arg1: i32) -> (i32, i32, i32) {
    %c0_i32 = arith.constant 0 : i32
    %c0_i32_0 = arith.constant 0 : i32
    %c0_i32_1 = arith.constant 0 : i32
    return %arg0, %c0_i32, %c0_i32_0 : i32, i32, i32
  }
  func.func @transform_6(%arg0: i32, %arg1: i32) -> (i32, i32) {
    %c0_i32 = arith.constant 0 : i32
    %c0_i32_0 = arith.constant 0 : i32
    %c0_i32_1 = arith.constant 0 : i32
    return %c0_i32, %c0_i32_0 : i32, i32
  }
}

module attributes {stable_mosaic.version = 14 : i64} {
  func.func @_phase_c_body(%arg0: i32, %arg1: memref<2x1024x128xf32, #tpu.memory_space<vmem>>, %arg2: memref<64x32xf32, #tpu.memory_space<vmem>>, %arg3: memref<64x1xf32, #tpu.memory_space<vmem>>, %arg4: memref<2x8192xf32, #tpu.memory_space<vmem>>, %arg5: memref<2x64x32x32xf32, #tpu.memory_space<vmem>>, %arg6: memref<1x128xf32, #tpu.memory_space<vmem>>) attributes {dimension_semantics = [#tpu.dimension_semantics<arbitrary>], iteration_bounds = array<i64: 8>, scalar_prefetch = 0 : i64, scratch_operands = 0 : i64, tpu.core_type = #tpu.core_type<tc>, window_params = [{transform_indices = @transform_0, window_bounds = array<i64: 2, 1024, 128>}, {pipeline_mode = #tpu.pipeline_mode<synchronous>, transform_indices = @transform_1, window_bounds = array<i64: 64, 32>}, {pipeline_mode = #tpu.pipeline_mode<synchronous>, transform_indices = @transform_2, window_bounds = array<i64: 64, 1>}, {pipeline_mode = #tpu.pipeline_mode<synchronous>, transform_indices = @transform_3, window_bounds = array<i64: 2, 8192>}, {transform_indices = @transform_4, window_bounds = array<i64: 2, 64, 32, 32>}, {pipeline_mode = #tpu.pipeline_mode<synchronous>, transform_indices = @transform_5, window_bounds = array<i64: 1, 128>}]} {
    %get3A = arith.constant 0 : index
    %get3A_0 = arith.constant 0 : index
    %get3A_1 = arith.constant 0 : index
    %get3A_2 = vector.load %arg1[%get3A, %get3A_0, %get3A_1] : memref<2x1024x128xf32, #tpu.memory_space<vmem>>, vector<1x1024x128xf32>
    %get3A_3 = vector.shape_cast %get3A_2 : vector<1x1024x128xf32> to vector<1024x128xf32>
    %slice3A = vector.extract_strided_slice %get3A_3 {offsets = [0, 0], sizes = [1024, 32], strides = [1, 1]} : vector<1024x128xf32> to vector<1024x32xf32>
    %get3A_4 = arith.constant 1 : index
    %get3A_5 = arith.constant 0 : index
    %get3A_6 = arith.constant 0 : index
    %get3A_7 = vector.load %arg1[%get3A_4, %get3A_5, %get3A_6] : memref<2x1024x128xf32, #tpu.memory_space<vmem>>, vector<1x1024x128xf32>
    %get3A_8 = vector.shape_cast %get3A_7 : vector<1x1024x128xf32> to vector<1024x128xf32>
    %slice3A_9 = vector.extract_strided_slice %get3A_8 {offsets = [0, 0], sizes = [1024, 32], strides = [1, 1]} : vector<1024x128xf32> to vector<1024x32xf32>
    %concatenate3A = tpu.concatenate %slice3A, %slice3A_9 in 0 : vector<1024x32xf32>, vector<1024x32xf32> -> vector<2048x32xf32>
    %get3A_10 = arith.constant 0 : index
    %get3A_11 = arith.constant 0 : index
    %get3A_12 = vector.load %arg2[%get3A_10, %get3A_11] : memref<64x32xf32, #tpu.memory_space<vmem>>, vector<64x32xf32>
    %convert_element_type3A = arith.truncf %get3A_12 : vector<64x32xf32> to vector<64x32xbf16>
    %convert_element_type3A_13 = arith.truncf %concatenate3A : vector<2048x32xf32> to vector<2048x32xbf16>
    %dot_general3A = arith.constant dense<0.000000e+00> : vector<64x2048xf32>
    %dot_general3A_14 = tpu.matmul %convert_element_type3A, %convert_element_type3A_13, %dot_general3A {dimension_numbers = #tpu.dot_dimension_numbers<[1], [1], [0], [0], [0, 0, 1, 0], [], []>, transpose_lhs_hint = false} : vector<64x32xbf16>, vector<2048x32xbf16>, vector<64x2048xf32> -> vector<64x2048xf32>
    %get3A_15 = arith.constant 0 : index
    %get3A_16 = arith.constant 0 : index
    %get3A_17 = vector.load %arg3[%get3A_15, %get3A_16] : memref<64x1xf32, #tpu.memory_space<vmem>>, vector<64x1xf32>
    %add3A = vector.broadcast %get3A_17 : vector<64x1xf32> to vector<64x2048xf32>
    %add3A_18 = arith.addf %dot_general3A_14, %add3A : vector<64x2048xf32>
    %slice3A_19 = vector.extract_strided_slice %add3A_18 {offsets = [0, 0], sizes = [64, 1024], strides = [1, 1]} : vector<64x2048xf32> to vector<64x1024xf32>
    %reshape3A = vector.shape_cast %slice3A_19 : vector<64x1024xf32> to vector<64x32x32xf32>
    %swap3A = arith.constant 0 : index
    %swap3A_20 = arith.constant 0 : index
    %swap3A_21 = arith.constant 0 : index
    %swap3A_22 = arith.constant 0 : index
    %swap3A_23 = vector.load %arg5[%swap3A, %swap3A_20, %swap3A_21, %swap3A_22] : memref<2x64x32x32xf32, #tpu.memory_space<vmem>>, vector<1x64x32x32xf32>
    %swap3A_24 = vector.shape_cast %swap3A_23 : vector<1x64x32x32xf32> to vector<64x32x32xf32>
    %swap3A_25 = vector.shape_cast %reshape3A : vector<64x32x32xf32> to vector<1x64x32x32xf32>
    tpu.vector_store %arg5[%swap3A, %swap3A_20, %swap3A_21, %swap3A_22], %swap3A_25 {strides = array<i32>} : memref<2x64x32x32xf32, #tpu.memory_space<vmem>>, vector<1x64x32x32xf32>,
    %slice3A_26 = vector.extract_strided_slice %add3A_18 {offsets = [0, 1024], sizes = [64, 1024], strides = [1, 1]} : vector<64x2048xf32> to vector<64x1024xf32>
    %reshape3A_27 = vector.shape_cast %slice3A_26 : vector<64x1024xf32> to vector<64x32x32xf32>
    %swap3A_28 = arith.constant 1 : index
    %swap3A_29 = arith.constant 0 : index
    %swap3A_30 = arith.constant 0 : index
    %swap3A_31 = arith.constant 0 : index
    %swap3A_32 = vector.load %arg5[%swap3A_28, %swap3A_29, %swap3A_30, %swap3A_31] : memref<2x64x32x32xf32, #tpu.memory_space<vmem>>, vector<1x64x32x32xf32>
    %swap3A_33 = vector.shape_cast %swap3A_32 : vector<1x64x32x32xf32> to vector<64x32x32xf32>
    %swap3A_34 = vector.shape_cast %reshape3A_27 : vector<64x32x32xf32> to vector<1x64x32x32xf32>
    tpu.vector_store %arg5[%swap3A_28, %swap3A_29, %swap3A_30, %swap3A_31], %swap3A_34 {strides = array<i32>} : memref<2x64x32x32xf32, #tpu.memory_space<vmem>>, vector<1x64x32x32xf32>,
    %eq3A = arith.constant 0 : i32
    %eq3A_35 = arith.cmpi eq, %arg0, %eq3A : i32
    %convert_element_type3A_36 = arith.extui %eq3A_35 : i1 to i32
    %cond3A = arith.constant 0 : i32
    %cond3A_37 = arith.cmpi ne, %convert_element_type3A_36, %cond3A : i32
    scf.if %cond3A_37 {
      %get3A_38 = arith.constant 0 : index
      %get3A_39 = arith.constant 0 : index
      %get3A_40 = vector.load %arg4[%get3A_38, %get3A_39] : memref<2x8192xf32, #tpu.memory_space<vmem>>, vector<1x8192xf32>
      %get3A_41 = arith.constant 1 : index
      %get3A_42 = arith.constant 0 : index
      %get3A_43 = vector.load %arg4[%get3A_41, %get3A_42] : memref<2x8192xf32, #tpu.memory_space<vmem>>, vector<1x8192xf32>
      %add3A_44 = arith.addf %get3A_40, %get3A_43 : vector<1x8192xf32>
      %reduce_sum3A = vector.shape_cast %add3A_44 : vector<1x8192xf32> to vector<1x1x8192xf32>
      %reduce_sum3A_45 = arith.constant dense<0.000000e+00> : vector<1xf32>
      %reduce_sum3A_46 = vector.multi_reduction <add>, %reduce_sum3A, %reduce_sum3A_45 [1, 2] : vector<1x1x8192xf32> to vector<1xf32>
      %reduce_sum3A_47 = vector.shape_cast %reduce_sum3A_46 : vector<1xf32> to vector<1x1x1xf32>
      %reduce_sum3A_48 = vector.extract %reduce_sum3A_47[0, 0, 0] : f32 from vector<1x1x1xf32>
      %add3A_49 = arith.constant 9.99999993E-9 : f32
      %add3A_50 = arith.addf %reduce_sum3A_48, %add3A_49 : f32
      %div3A = vector.broadcast %add3A_50 : f32 to vector<1x8192xf32>
      %div3A_51 = arith.divf %add3A_44, %div3A : vector<1x8192xf32>
      %add3A_52 = arith.constant 9.99999993E-9 : f32
      %add3A_53 = vector.broadcast %add3A_52 : f32 to vector<1x8192xf32>
      %add3A_54 = arith.addf %div3A_51, %add3A_53 : vector<1x8192xf32>
      %log3A = math.log %add3A_54 : vector<1x8192xf32>
      %mul3A = arith.mulf %div3A_51, %log3A : vector<1x8192xf32>
      %reduce_sum3A_55 = vector.shape_cast %mul3A : vector<1x8192xf32> to vector<1x1x8192xf32>
      %reduce_sum3A_56 = arith.constant dense<0.000000e+00> : vector<1xf32>
      %reduce_sum3A_57 = vector.multi_reduction <add>, %reduce_sum3A_55, %reduce_sum3A_56 [1, 2] : vector<1x1x8192xf32> to vector<1xf32>
      %reduce_sum3A_58 = vector.shape_cast %reduce_sum3A_57 : vector<1xf32> to vector<1x1x1xf32>
      %reduce_sum3A_59 = vector.extract %reduce_sum3A_58[0, 0, 0] : f32 from vector<1x1x1xf32>
      %neg3A = arith.constant 0.000000e+00 : f32
      %neg3A_60 = arith.subf %neg3A, %reduce_sum3A_59 : f32
      %sub3A = arith.constant 9.01091289 : f32
      %sub3A_61 = arith.subf %sub3A, %neg3A_60 : f32
      %exp3A = math.exp %neg3A_60 : f32
      %gt3A = arith.constant 0.000000e+00 : f32
      %gt3A_62 = vector.broadcast %gt3A : f32 to vector<1x8192xf32>
      %gt3A_63 = arith.cmpf ogt, %add3A_44, %gt3A_62 : vector<1x8192xf32>
      %convert_element_type3A_64 = arith.extui %gt3A_63 : vector<1x8192xi1> to vector<1x8192xi32>
      %convert_element_type3A_65 = arith.sitofp %convert_element_type3A_64 : vector<1x8192xi32> to vector<1x8192xf32>
      %reduce_sum3A_66 = vector.shape_cast %convert_element_type3A_65 : vector<1x8192xf32> to vector<1x1x8192xf32>
      %reduce_sum3A_67 = arith.constant dense<0.000000e+00> : vector<1xf32>
      %reduce_sum3A_68 = vector.multi_reduction <add>, %reduce_sum3A_66, %reduce_sum3A_67 [1, 2] : vector<1x1x8192xf32> to vector<1xf32>
      %reduce_sum3A_69 = vector.shape_cast %reduce_sum3A_68 : vector<1xf32> to vector<1x1x1xf32>
      %reduce_sum3A_70 = vector.extract %reduce_sum3A_69[0, 0, 0] : f32 from vector<1x1x1xf32>
      %div3A_71 = arith.constant 8.192000e+03 : f32
      %div3A_72 = arith.divf %reduce_sum3A_70, %div3A_71 : f32
      %iota3A = tpu.iota {dimensions = array<i32: 1>} : vector<1x128xi32>
      %eq3A_73 = arith.constant 0 : i32
      %eq3A_74 = vector.broadcast %eq3A_73 : i32 to vector<1x128xi32>
      %eq3A_75 = arith.cmpi eq, %iota3A, %eq3A_74 : vector<1x128xi32>
      %eq3A_76 = arith.constant 1 : i32
      %eq3A_77 = vector.broadcast %eq3A_76 : i32 to vector<1x128xi32>
      %eq3A_78 = arith.cmpi eq, %iota3A, %eq3A_77 : vector<1x128xi32>
      %eq3A_79 = arith.constant 2 : i32
      %eq3A_80 = vector.broadcast %eq3A_79 : i32 to vector<1x128xi32>
      %eq3A_81 = arith.cmpi eq, %iota3A, %eq3A_80 : vector<1x128xi32>
      %jit3A = arith.constant 0.000000e+00 : f32
      %broadcast_in_dim3A = vector.broadcast %div3A_72 : f32 to vector<1x128xf32>
      %broadcast_in_dim3A_82 = vector.broadcast %jit3A : f32 to vector<1x128xf32>
      %select_n3A = arith.select %eq3A_81, %broadcast_in_dim3A, %broadcast_in_dim3A_82 : vector<1x128xi1>, vector<1x128xf32>
      %broadcast_in_dim3A_83 = vector.broadcast %exp3A : f32 to vector<1x128xf32>
      %select_n3A_84 = arith.select %eq3A_78, %broadcast_in_dim3A_83, %select_n3A : vector<1x128xi1>, vector<1x128xf32>
      %broadcast_in_dim3A_85 = vector.broadcast %sub3A_61 : f32 to vector<1x128xf32>
      %select_n3A_86 = arith.select %eq3A_75, %broadcast_in_dim3A_85, %select_n3A_84 : vector<1x128xi1>, vector<1x128xf32>
      %swap3A_87 = arith.constant 0 : index
      %swap3A_88 = arith.constant 0 : index
      %swap3A_89 = vector.load %arg6[%swap3A_87, %swap3A_88] : memref<1x128xf32, #tpu.memory_space<vmem>>, vector<1x128xf32>
      tpu.vector_store %arg6[%swap3A_87, %swap3A_88], %select_n3A_86 {strides = array<i32>} : memref<1x128xf32, #tpu.memory_space<vmem>>, vector<1x128xf32>,
    } else {
    }
    return
  }
  func.func @transform_0(%arg0: i32) -> (i32, i32, i32) {
    %c0_i32 = arith.constant 0 : i32
    %c0_i32_0 = arith.constant 0 : i32
    %c0_i32_1 = arith.constant 0 : i32
    return %arg0, %c0_i32, %c0_i32_0 : i32, i32, i32
  }
  func.func @transform_1(%arg0: i32) -> (i32, i32) {
    %c0_i32 = arith.constant 0 : i32
    %c0_i32_0 = arith.constant 0 : i32
    %c0_i32_1 = arith.constant 0 : i32
    return %c0_i32, %c0_i32_0 : i32, i32
  }
  func.func @transform_2(%arg0: i32) -> (i32, i32) {
    %c0_i32 = arith.constant 0 : i32
    %c0_i32_0 = arith.constant 0 : i32
    %c0_i32_1 = arith.constant 0 : i32
    return %c0_i32, %c0_i32_0 : i32, i32
  }
  func.func @transform_3(%arg0: i32) -> (i32, i32) {
    %c0_i32 = arith.constant 0 : i32
    %c0_i32_0 = arith.constant 0 : i32
    %c0_i32_1 = arith.constant 0 : i32
    return %c0_i32, %c0_i32_0 : i32, i32
  }
  func.func @transform_4(%arg0: i32) -> (i32, i32, i32, i32) {
    %c0_i32 = arith.constant 0 : i32
    %c0_i32_0 = arith.constant 0 : i32
    %c0_i32_1 = arith.constant 0 : i32
    %c0_i32_2 = arith.constant 0 : i32
    return %arg0, %c0_i32, %c0_i32_0, %c0_i32_1 : i32, i32, i32, i32
  }
  func.func @transform_5(%arg0: i32) -> (i32, i32) {
    %c0_i32 = arith.constant 0 : i32
    %c0_i32_0 = arith.constant 0 : i32
    %c0_i32_1 = arith.constant 0 : i32
    return %c0_i32, %c0_i32_0 : i32, i32
  }
}

</mosaic_0001>

<sc_bundles>
// kernel: kernel.6.cloned.1.call-start
scs
__scs_entry_jumppad:
0x0: {  	(pc) =	sbr.rel $0x88, $3  }
0x1: {  	(tag) =	ssettag $0x0;
	lr =	simm.s32 $0x1  }
0x2: {  	[smem:$0x3F9B] =	sst lr;
	_ =	strace $0xD0000000  }
0x3: {  	_ = 	snop  }
0x4: {  	_ = 	snop  }
0x5: {  	_ = 	snop  }
0x6: {  	_ = 	snop  }
0x7: {  	_ = 	snop  }
__scs_overlays_trampoline_lowered:
0x8: {  	[smem:$0x3FAA] =	sst s0  }
0x9: {  	[smem:$0x3FAB] =	sst s1  }
0xa: {  	[smem:$0x3FAC] =	sst s2  }
0xb: {  	[smem:$0x3FAD] =	sst s3  }
0xc: {  	[smem:$0x3FAE] =	sst s4  }
0xd: {  	[smem:$0x3FAF] =	sst s5  }
0xe: {  	[smem:$0x3FB0] =	sst s6  }
0xf: {  	[smem:$0x3FB1] =	sst s7  }
0x10: {  	[smem:$0x3FB2] =	sst s8  }
0x11: {  	[smem:$0x3FB3] =	sst s9;
	s0 =	simm.s32 @!p0 $0x0  }
0x12: {  	s1 =	sld [smem:$0x3F99];
	s0 =	simm.s32 @p0 $0x1  }
0x13: {  	[smem:$0x3FB4] =	sst s0;
	s0 =	simm.s32 @!p1 $0x0  }
0x14: {  	s2 =	sld [smem:$0x3F98];
	s0 =	simm.s32 @p1 $0x1  }
0x15: {  	[smem:$0x3FB5] =	sst s0;
	s0 =	simm.s32 @!p2 $0x0  }
0x16: {  	s3 =	sld [smem:$0x3FDB];
	s0 =	simm.s32 @p2 $0x1  }
0x17: {  	s4 =	simm.s32 $0x1BF5;
	[smem:$0x3FB7] =	sst s0  }
0x18: {  	s0 =	sld [smem:$0x3F9A];
	_ =	swait.ge [sflag:s4], $0x0  }
0x19: {  	s7 =	sld [smem:$0x3F9B]  }
0x1a: {  	s8 =	sadd.s32 $0xFFFFE003, lr  }
0x1b: {  	s9 =	sadd.s32 $0xFFFFFEF7, lr;
	s5 =	simm.s32 $0xFFFFFFFF;
	p2 =	slt.u32 s8, $0xFFFFF086  }
0x1c: {  	p1 =	slt.u32 s9, $0xF7A;
	s5 =	simm.s32 @!p2 $0x0  }
0x1d: {  	s5 =	simm.s32 @p1 $0x1;
	p0 =	seq.s32 s7, s2  }
0x1e: {  	s7 =	smul.u32 @!p0 $0xF7A, s2;
	p2 =	seq.s32 @!p0 s5, $0x0  }
0x1f: {  	s9 =	smul.u32 $0xF7A, s1;
	s8 =	simm.s32 @!p0 $0x1BF5;
	p2 =	por !p2, p0  }
0x20: {  	[sflag:s8] =	ssyncset.s32 @!p0 $0xFFFFF086;
	s6 =	sadd.s32 @!p0 s3, s7;
	s7 =	simm.s32 @!p0 $0x108  }
0x21: {  	s3 =	sadd.s32 s3, s9;
	s6 =	sadd.s32 @!p0 $0x88, s6;
	s7 =	simm.s32 @p2 $0x1082  }
0x22: {  	[simem:s7], [sflag:s8] =	dma.local @!p0 [hbm:s6], $0xF7A  }
0x23: {  	s9 =	sor.u32 $0xD0000000, s2;
	s6 =	simm.s32 $0x108;
	_ =	swait.ge @!p0 [sflag:s8], $0x0  }
0x24: {  	s3 =	sadd.s32 $0x88, s3;
	s6 =	simm.s32 @!p1 $0x1082;
	[sflag:s4] =	ssyncset.s32 $0xFFFFF086  }
0x25: {  	[simem:s6], [sflag:s4] =	dma.local [hbm:s3], $0xF7A  }
0x26: {  	[smem:$0x3F9B] =	sst s1;
	(tag) =	ssettag s2;
	_ =	strace s9  }
0x27: {  	s1 =	sld [smem:$0x3FAB]  }
0x28: {  	s2 =	sld [smem:$0x3FAC]  }
0x29: {  	s4 =	sld [smem:$0x3FAE]  }
0x2a: {  	p0 =	seq.s32 s5, $0x0;
	s5 =	sld [smem:$0x3FAF]  }
0x2b: {  	s6 =	sld [smem:$0x3FB0]  }
0x2c: {  	s7 =	sld [smem:$0x3FB1]  }
0x2d: {  	s3 =	simm.s32 $0x108;
	s8 =	sld [smem:$0x3FB2]  }
0x2e: {  	s3 =	simm.s32 @!p0 $0x1082;
	s9 =	sld [smem:$0x3FB3]  }
0x2f: {  	lr =	sadd.s32 s0, s3;
	s0 =	sld [smem:$0x3FAA]  }
0x30: {  	s3 =	sld [smem:$0x3FAD]  }
0x31: {  	[smem:$0x3FB6] =	sst s10  }
0x32: {  	s10 =	sld [smem:$0x3FB4];
	_ =	sdelay $0x3  }
0x33: {  	p0 =	seq.s32 s10, $0x1;
	s10 =	sld [smem:$0x3FB6];
	_ =	sdelay $0x3  }
0x34: {  	[smem:$0x3FB6] =	sst s10  }
0x35: {  	s10 =	sld [smem:$0x3FB5];
	_ =	sdelay $0x3  }
0x36: {  	p1 =	seq.s32 s10, $0x1;
	s10 =	sld [smem:$0x3FB6];
	_ =	sdelay $0x3  }
0x37: {  	[smem:$0x3FB6] =	sst s10  }
0x38: {  	s10 =	sld [smem:$0x3FB7]  }
0x39: {  	_ = 	snop;
	(pc) =	sbr.ind lr, $3  }
0x3a: {  	_ = 	snop  }
0x3b: {  	_ = 	snop  }
0x3c: {  	p2 =	seq.s32 s10, $0x1;
	s10 =	sld [smem:$0x3FB6]  }
0x3d: {  	_ =	shalt  }
0x3e: {  	_ =	shalt  }
0x3f: {  	_ =	shalt  }
0x40: {  	_ =	shalt  }
0x41: {  	_ =	shalt  }
0x42: {  	_ =	shalt  }
0x43: {  	_ =	shalt  }
0x44: {  	_ =	shalt  }
0x45: {  	_ =	shalt  }
0x46: {  	_ =	shalt  }
0x47: {  	_ =	shalt  }
0x48: {  	_ =	shalt  }
0x49: {  	_ =	shalt  }
0x4a: {  	_ =	shalt  }
0x4b: {  	_ =	shalt  }
0x4c: {  	_ =	shalt  }
0x4d: {  	_ =	shalt  }
0x4e: {  	_ =	shalt  }
0x4f: {  	_ =	shalt  }
0x50: {  	_ =	shalt  }
0x51: {  	_ =	shalt  }
0x52: {  	_ =	shalt  }
0x53: {  	_ =	shalt  }
0x54: {  	_ =	shalt  }
0x55: {  	_ =	shalt  }
0x56: {  	_ =	shalt  }
0x57: {  	_ =	shalt  }
0x58: {  	_ =	shalt  }
0x59: {  	_ =	shalt  }
0x5a: {  	_ =	shalt  }
0x5b: {  	_ =	shalt  }
0x5c: {  	_ =	shalt  }
0x5d: {  	_ =	shalt  }
0x5e: {  	_ =	shalt  }
0x5f: {  	_ =	shalt  }
0x60: {  	_ =	shalt  }
0x61: {  	_ =	shalt  }
0x62: {  	_ =	shalt  }
0x63: {  	_ =	shalt  }
0x64: {  	_ =	shalt  }
0x65: {  	_ =	shalt  }
0x66: {  	_ =	shalt  }
0x67: {  	_ =	shalt  }
0x68: {  	_ =	shalt  }
0x69: {  	_ =	shalt  }
0x6a: {  	_ =	shalt  }
0x6b: {  	_ =	shalt  }
0x6c: {  	_ =	shalt  }
0x6d: {  	_ =	shalt  }
0x6e: {  	_ =	shalt  }
0x6f: {  	_ =	shalt  }
0x70: {  	_ =	shalt  }
0x71: {  	_ =	shalt  }
0x72: {  	_ =	shalt  }
0x73: {  	_ =	shalt  }
0x74: {  	_ =	shalt  }
0x75: {  	_ =	shalt  }
0x76: {  	_ =	shalt  }
0x77: {  	_ =	shalt  }
0x78: {  	_ =	shalt  }
0x79: {  	_ =	shalt  }
0x7a: {  	_ =	shalt  }
0x7b: {  	_ =	shalt  }
0x7c: {  	_ =	shalt  }
0x7d: {  	_ =	shalt  }
0x7e: {  	_ =	shalt  }
0x7f: {  	_ =	shalt  }
0x80: {  	_ =	shalt  }
0x81: {  	_ =	shalt  }
0x82: {  	_ =	shalt  }
0x83: {  	_ =	shalt  }
0x84: {  	_ =	shalt  }
0x85: {  	_ =	shalt  }
0x86: {  	_ =	shalt  }
0x87: {  	_ =	shalt  }
.Lfunc_end0:
.L_simem_size_0:
called_computation_lowered:
.L_overlay_start_0:
0x88: {  	s2 =	sld [smem:$0x3FD9]  }
0x89: {  	s3 =	sld [smem:$0x3FFE];
	_ =	sdelay $0x1  }
0x8a: {  	s1 =	srdreg.scid  }
0x8b: {  	s0 =	sand.u32 $0x1, s1  }
0x8c: {  	s14 =	sshll.u32 s0, $0xA;
	s2 =	sadd.s32 s3, s2  }
0x8d: {  	s2 =	sadd.s32 s2, s14  }
0x8e: {  	[smem:$0x3FC2] =	sst s2  }
0x8f: {  	_ = 	snop  }
0x90: {  	s2 =	sld [smem:$0x3FD0];
	_ =	sdelay $0x2  }
0x91: {  	s15 =	simm.s32 $0xA;
	s4 =	simm.s32 $0x10  }
0x92: {  	[smem:s4], [sflag:s15] =	dma.local [hbm:s2], $0x1  }
0x93: {  	_ =	swait.eq [sflag:s15], $0x1  }
0x94: {  	[sflag:s15] =	ssyncset.done $0x0  }
0x95: {  	s16 =	sld [smem:$0x10];
	[sflag:s15] =	ssyncadd.s32 $0xFFFFFFFF  }
0x96: {  	s17 =	sld [smem:$0x13];
	(tm) =	ssettm $0x1  }
0x97: {  	s18 =	sld [smem:$0x3FFB];
	_ =	sdelay $0x3  }
0x98: {  	_ =	strace s18  }
0x99: {  	s4 =	sld [smem:$0x3FFC];
	_ =	sdelay $0x3  }
0x9a: {  	_ =	strace s4  }
0x9b: {  	s4 =	sld [smem:$0x3FFD];
	_ =	sdelay $0x3  }
0x9c: {  	_ =	strace s4  }
0x9d: {  	_ =	strace $0x8FFFFFFF  }
0x9e: {  	s19 =	sld [smem:$0x3FDB];
	_ =	sdelay $0x1  }
0x9f: {  	s5 =	simm.s32 $_scs_section_size  }
0xa0: {  	s6 =	simm.s32 $_size__tile_overlayer_lowered;
	s7 =	simm.s32 $_tile_overlayer_lowered  }
0xa1: {  	s22 =	simm.s32 $0x1BFF;
	s21 =	sshll.u32 s7, $0x1;
	s4 =	sadd.s32 s5, s19  }
0xa2: {  	s8 =	simm.s32 $0x0;
	s20 =	sshll.u32 s6, $0x1;
	s6 =	sadd.s32 s21, s4  }
0xa3: {  	[timem:s8], [sflag:s22] =	dma.local [hbm:s6], s20  }
0xa4: {  	_ =	swait.ge [sflag:s22], s20  }
0xa5: {  	s5 =	ssub.s32 $0x0, s20;
	[sflag:s22] =	ssyncset.done $0x0  }
0xa6: {  	[sflag:s22] =	ssyncadd.s32 s5;
	_ =	sdelay $0x1  }
0xa7: {  	s23 =	simm.s32 $0x1B8B  }
0xa8: {  	_ =	swait.ge [sflag:s23], $0x1  }
0xa9: {  	[sflag:s23] =	ssyncset.done $0x0  }
0xaa: {  	s25 =	simm.s32 $0x1B8E;
	s24 =	sld [smem:$0x3FFE];
	[sflag:s23] =	ssyncadd.s32 $0xFFFFFFFF  }
0xab: {  	s26 =	simm.s32 $execute0_lowered;
	[smem:$0x3FD2] =	sst s25  }
0xac: {  	s6 =	sshll.u32 s26, $0x1;
	_ =	strace $0x80000046;
	[dreg:$0x1] =	wrdreg $0xFFFFFFFF  }
0xad: {  	s28 =	simm.s32 $_size_execute0_lowered;
	s4 =	sadd.s32 s4, s6;
	[dreg:$0x0] =	wrdreg $0x0  }
0xae: {  	s6 =	sshll.u32 s28, $0x1;
	[dreg:$0x2] =	wrdreg s4  }
0xaf: {  	[dreg:$0x3] =	wrdreg s6  }
0xb0: {  	[dreg:$0x4] =	wrdreg $0xC0  }
0xb1: {  	_ =	task [dreg:s8], $0x5FFFF  }
0xb2: {  	[dreg:$0x1] =	wrdreg $0xFFFFFFFF  }
0xb3: {  	[dreg:$0x0] =	wrdreg $0x60  }
0xb4: {  	[dreg:$0x2] =	wrdreg s24  }
0xb5: {  	[dreg:$0x3] =	wrdreg s17  }
0xb6: {  	[dreg:$0x4] =	wrdreg s16  }
0xb7: {  	[dreg:$0x5] =	wrdreg $0x102800  }
0xb8: {  	[dreg:$0x6] =	wrdreg $0x9  }
0xb9: {  	_ =	task.clear_ibuf [dreg:s8], $0x7FFFF;
	_ =	strace $0x90000046  }
0xba: {  	s29 =	simm.s32 $0x9;
	_ =	strace $0x80000048  }
0xbb: {  	_ =	swait.ge [sflag:s29], $0x1  }
0xbc: {  	[sflag:s29] =	ssyncadd.s32 $0xFFFFFFFF  }
0xbd: {  	_ =	strace $0x90000048  }
0xbe: {  	_ =	sfence  }
0xbf: {  	s30 =	sld [smem:$0x0];
	_ =	sdelay $0x2  }
0xc0: {  	s31 =	sshll.u32 s1, $0xD;
	s1 =	sshrl.u32 s1, $0x2  }
0xc1: {  	s3 =	sand.u32 $0x4000, s31;
	s1 =	sadd.s32 s1, s30  }
0xc2: {  	s0 =	sor.u32 s3, s0;
	s1 =	sshll.u32 s1, $0x11  }
0xc3: {  	s0 =	sor.u32 s1, s0  }
0xc4: {  	s0 =	sadd.s32 $0x8F2B, s0  }
0xc5: {  	[sflag:s0] =	ssyncadd.remote.s32 $0x1  }
0xc6: {  	_ =	sfence.sel $0xFFFF  }
0xc7: {  	[dreg:$0x0] =	wrdreg $0xFFFFFFFF;
	(pc) =	sbr.abs _section_cstart, $3  }
0xc8: {  	[dreg:$0x1] =	wrdreg $0xFFFFFFFF  }
0xc9: {  	_ =	task.clear_ibuf [dreg:s8], $0x2FFFF;
	_ =	strace $0x9FFFFFFF  }
0xca: {  	(tm) =	ssettm $0x7FFFFFFF  }
0xcb: {  	_ =	shalt  }
tec
execute0_lowered:
.L_overlay_start_1:
0x0: {  	(tag) =	ssettag $0x1  }
0x1: {  	s21 =	rddreg [dreg:$0x0]  }
0x2: {  	s1 =	rddreg [dreg:$0x1]  }
0x3: {  	s20 =	rddreg [dreg:$0x2];
	s0 =	srdreg.scid  }
0x4: {  	s2 =	rddreg [dreg:$0x3];
	s22 =	sand.u32 $0x1, s0  }
0x5: {  	s23 =	stileid.u32;
	s3 =	simm.s32 $0x0;
	s4 =	sshll.u32 s22, $0x6  }
0x6: {  	s0 =	rddreg [dreg:$0x4];
	s5 =	sshll.u32 s23, $0x7;
	s4 =	sadd.s32 s4, s21  }
0x7: {  	[smem:$0x7FF] =	sst s3;
	s4 =	sadd.s32 s5, s4  }
0x8: {  	_ =	strace $0x80000047;
	s5 =	simm.s32 $0x2;
	s4 =	sadd.s32 $0x22000, s4  }
0x9: {  	[tilespmem:s3], [sflag:$0x2] =	stream.linear.gather [hbm4b:s4+s3], $0x200, $0x38;
	[tilespmem:$0x10480] =	vst v63  }
0xa: {  	_ =	swait.ge [sflag:s5], $0x200  }
0xb: {  	[sflag:s5] =	ssyncset.done $0x0  }
0xc: {  	s6 =	simm.s32 $0x10200;
	[sflag:s5] =	ssyncadd.s32 $0xFFFFFE00  }
0xd: {  	[tilespmem:s6], [sflag:$0x2] =	stream.linear.gather [hbm4b:s1+s3], $0x80, $0x38;
	[tilespmem:$0x10480] =	vst v63  }
0xe: {  	p0 =	sne.s32 s23, $0x0;
	_ =	swait.ge [sflag:s5], $0x80  }
0xf: {  	s7 =	sadd.s32 $0x22800, s21;
	s9 =	sshrl.u32 @!p0 s2, $0x3;
	[sflag:s5] =	ssyncset.done $0x0  }
0x10: {  	s10 =	simm.s32 @!p0 $0x1C02;
	s8 =	simm.s32 @!p0 $0x2;
	[sflag:s5] =	ssyncadd.s32 $0xFFFFFF80  }
0x11: {  	[spmem:s9], [sflag:s10] =	dma.local @!p0 [hbm:s7], $0x400  }
0x12: {  	_ =	swait.ge @!p0 [sflag:s8], $0x400  }
0x13: {  	s12 =	simm.s32 $0x80;
	[sflag:s8] =	ssyncset.done @!p0 $0x0  }
0x14: {  	s13 =	simm.s32 $0x200;
	s11 =	sadd.s32 $0x2000, s21;
	[sflag:s8] =	ssyncadd.s32 @!p0 $0xFFFFFC00  }
0x15: {  	[tilespmem:s13], [sflag:$0x1] =	stream.indirect.gather [hbm4b:s11+s12], $0x80, s3, s12, $0xb8;
	[tilespmem:$0x10480] =	vst v63  }
0x16: {  	s14 =	simm.s32 $0x4200  }
0x17: {  	[tilespmem:s14], [sflag:$0x1] =	stream.indirect.gather [hbm4b:s11+s12], $0x80, s12, s12, $0xb8;
	[tilespmem:$0x10480] =	vst v63  }
0x18: {  	s15 =	simm.s32 $0x100;
	s16 =	simm.s32 $0x8200  }
0x19: {  	[tilespmem:s16], [sflag:$0x1] =	stream.indirect.gather [hbm4b:s11+s12], $0x80, s15, s12, $0xb8;
	[tilespmem:$0x10480] =	vst v63  }
0x1a: {  	s17 =	simm.s32 $0x180;
	s18 =	simm.s32 $0xC200;
	s19 =	simm.s32 $0x1  }
0x1b: {  	[tilespmem:s18], [sflag:$0x1] =	stream.indirect.gather [hbm4b:s11+s12], $0x80, s17, s12, $0xb8;
	[tilespmem:$0x10480] =	vst v63  }
0x1c: {  	_ =	swait.ge [sflag:s19], $0x4000  }
0x1d: {  	[sflag:s19] =	ssyncset.done $0x0  }
0x1e: {  	[sflag:s19] =	ssyncadd.s32 $0xFFFFC000  }
0x1f: {  	_ =	swait.ge [sflag:s19], $0x4000  }
0x20: {  	[sflag:s19] =	ssyncset.done $0x0  }
0x21: {  	[sflag:s19] =	ssyncadd.s32 $0xFFFFC000  }
0x22: {  	_ =	swait.ge [sflag:s19], $0x4000  }
0x23: {  	[sflag:s19] =	ssyncset.done $0x0  }
0x24: {  	[sflag:s19] =	ssyncadd.s32 $0xFFFFC000  }
0x25: {  	s24 =	sshll.u32 s22, $0xD;
	_ =	swait.ge [sflag:s19], $0x4000  }
0x26: {  	s23 =	sshll.u32 s23, $0xE;
	s20 =	sadd.s32 s20, s24;
	[sflag:s19] =	ssyncset.done $0x0  }
0x27: {  	s20 =	sadd.s32 s23, s20;
	[sflag:s19] =	ssyncadd.s32 $0xFFFFC000  }
0x28: {  	[hbm4b:s20+s3] =	stream.linear.scatter [tilespmem:s13], [sflag:$0x2], $0x10000, $0x38;
	[tilespmem:$0x10480] =	vst v63  }
0x29: {  	_ =	swait.ge [sflag:s5], $0x10000  }
0x2a: {  	[sflag:s5] =	ssyncset.done $0x0  }
0x2b: {  	[sflag:s5] =	ssyncadd.s32 $0xFFFF0000  }
0x2c: {  	[bflag:$0x0] =	sbarrier.arrive $0xFFFF  }
0x2d: {  	[spmem:s2] =	stream.indirect.scatter.add.f32 [tilespmem:s6], [sflag:$0x2], $0x1, s3, s12, $0xb8;
	[tilespmem:$0x10480] =	vst v63  }
0x2e: {  	_ =	swait.ge [sflag:s5], $0x80  }
0x2f: {  	[sflag:s5] =	ssyncset.done $0x0  }
0x30: {  	[sflag:s5] =	ssyncadd.s32 $0xFFFFFF80  }
0x31: {  	[spmem:s2] =	stream.indirect.scatter.add.f32 [tilespmem:s6], [sflag:$0x2], $0x1, s12, s12, $0xb8;
	[tilespmem:$0x10480] =	vst v63  }
0x32: {  	_ =	swait.ge [sflag:s5], $0x80  }
0x33: {  	[sflag:s5] =	ssyncset.done $0x0  }
0x34: {  	s29 =	ssub.s32 $0x2, s22;
	[sflag:s5] =	ssyncadd.s32 $0xFFFFFF80  }
0x35: {  	[spmem:s2] =	stream.indirect.scatter.add.f32 [tilespmem:s6], [sflag:$0x2], $0x1, s15, s12, $0xb8;
	[tilespmem:$0x10480] =	vst v63  }
0x36: {  	s30 =	sshrl.u32 s29, $0x1;
	_ =	swait.ge [sflag:s5], $0x80  }
0x37: {  	s22 =	sshll.u32 s22, $0x4;
	s31 =	ssub.s32 s29, s30;
	[sflag:s5] =	ssyncset.done $0x0  }
0x38: {  	s21 =	sadd.s32 s22, s21;
	s22 =	smax.u32 s31, $0x1;
	[sflag:s5] =	ssyncadd.s32 $0xFFFFFF80  }
0x39: {  	[spmem:s2] =	stream.indirect.scatter.add.f32 [tilespmem:s6], [sflag:$0x2], $0x1, s17, s12, $0xb8;
	[tilespmem:$0x10480] =	vst v63  }
0x3a: {  	s22 =	sadd.s32 $0xFFFFFFFF, s22;
	_ =	swait.ge [sflag:s5], $0x80  }
0x3b: {  	s25 =	simm.s32 @!p0 $0x20;
	p1 =	sne.s32 s22, $0x0;
	[sflag:s5] =	ssyncset.done $0x0  }
.Ltmp0:
0x3c: {  	s24 =	simm.s32 @!p0 $0x1;
	[sflag:s5] =	ssyncadd.s32 $0xFFFFFF80;
	(pc) =	sbr.rel @!p1 .LBB2_2-.Ltmp0, $4  }
0x3d: {  	s21 =	sadd.s32 $0x22C00, s21;
	s23 =	simm.s32 @!p0 $0x10;
	[bflag:$0x0] =	sbarrier.arrive $0xFFFF  }
0x3e: {  	[hbm:s21@s25], [sflag:s10] =	dma.strided @!p0 [spmem:s9@s23], $0x400, s24, $0x10   }
0x3f: {  	_ =	swait.ge @!p0 [sflag:s8], $0x400  }
0x40: {  	[sflag:s8] =	ssyncset.done @!p0 $0x0  }
.LBB2_1:
0x41: {  	s22 =	sadd.s32 $0xFFFFFFFF, s22;
	[sflag:s8] =	ssyncadd.s32 @!p0 $0xFFFFFC00  }
0x42: {  	[tilespmem:s3], [sflag:$0x2] =	stream.linear.gather [hbm4b:s4+s3], $0x200, $0x38;
	[tilespmem:$0x10480] =	vst v63  }
0x43: {  	p1 =	sne.s32 s22, $0x0;
	_ =	swait.ge [sflag:s5], $0x200  }
0x44: {  	[sflag:s5] =	ssyncset.done $0x0  }
0x45: {  	[sflag:s5] =	ssyncadd.s32 $0xFFFFFE00  }
0x46: {  	[tilespmem:s6], [sflag:$0x2] =	stream.linear.gather [hbm4b:s1+s3], $0x80, $0x38;
	[tilespmem:$0x10480] =	vst v63  }
0x47: {  	_ =	swait.ge [sflag:s5], $0x80  }
0x48: {  	[sflag:s5] =	ssyncset.done $0x0  }
0x49: {  	[sflag:s5] =	ssyncadd.s32 $0xFFFFFF80  }
0x4a: {  	[spmem:s9], [sflag:s10] =	dma.local @!p0 [hbm:s7], $0x400  }
0x4b: {  	_ =	swait.ge @!p0 [sflag:s8], $0x400  }
0x4c: {  	[sflag:s8] =	ssyncset.done @!p0 $0x0  }
0x4d: {  	[sflag:s8] =	ssyncadd.s32 @!p0 $0xFFFFFC00  }
0x4e: {  	[tilespmem:s13], [sflag:$0x1] =	stream.indirect.gather [hbm4b:s11+s12], $0x80, s3, s12, $0xb8;
	[tilespmem:$0x10480] =	vst v63  }
0x4f: {  	_ = 	snop  }
0x50: {  	[tilespmem:s14], [sflag:$0x1] =	stream.indirect.gather [hbm4b:s11+s12], $0x80, s12, s12, $0xb8;
	[tilespmem:$0x10480] =	vst v63  }
0x51: {  	_ = 	snop  }
0x52: {  	[tilespmem:s16], [sflag:$0x1] =	stream.indirect.gather [hbm4b:s11+s12], $0x80, s15, s12, $0xb8;
	[tilespmem:$0x10480] =	vst v63  }
0x53: {  	_ = 	snop  }
0x54: {  	[tilespmem:s18], [sflag:$0x1] =	stream.indirect.gather [hbm4b:s11+s12], $0x80, s17, s12, $0xb8;
	[tilespmem:$0x10480] =	vst v63  }
0x55: {  	_ =	swait.ge [sflag:s19], $0x4000  }
0x56: {  	[sflag:s19] =	ssyncset.done $0x0  }
0x57: {  	[sflag:s19] =	ssyncadd.s32 $0xFFFFC000  }
0x58: {  	_ =	swait.ge [sflag:s19], $0x4000  }
0x59: {  	[sflag:s19] =	ssyncset.done $0x0  }
0x5a: {  	[sflag:s19] =	ssyncadd.s32 $0xFFFFC000  }
0x5b: {  	_ =	swait.ge [sflag:s19], $0x4000  }
0x5c: {  	[sflag:s19] =	ssyncset.done $0x0  }
0x5d: {  	[sflag:s19] =	ssyncadd.s32 $0xFFFFC000  }
0x5e: {  	_ =	swait.ge [sflag:s19], $0x4000  }
0x5f: {  	[sflag:s19] =	ssyncset.done $0x0  }
0x60: {  	[sflag:s19] =	ssyncadd.s32 $0xFFFFC000  }
0x61: {  	[hbm4b:s20+s3] =	stream.linear.scatter [tilespmem:s13], [sflag:$0x2], $0x10000, $0x38;
	[tilespmem:$0x10480] =	vst v63  }
0x62: {  	_ =	swait.ge [sflag:s5], $0x10000  }
0x63: {  	[sflag:s5] =	ssyncset.done $0x0  }
0x64: {  	[sflag:s5] =	ssyncadd.s32 $0xFFFF0000  }
0x65: {  	[bflag:$0x0] =	sbarrier.arrive $0xFFFF  }
0x66: {  	[spmem:s2] =	stream.indirect.scatter.add.f32 [tilespmem:s6], [sflag:$0x2], $0x1, s3, s12, $0xb8;
	[tilespmem:$0x10480] =	vst v63  }
0x67: {  	_ =	swait.ge [sflag:s5], $0x80  }
0x68: {  	[sflag:s5] =	ssyncset.done $0x0  }
0x69: {  	[sflag:s5] =	ssyncadd.s32 $0xFFFFFF80  }
0x6a: {  	[spmem:s2] =	stream.indirect.scatter.add.f32 [tilespmem:s6], [sflag:$0x2], $0x1, s12, s12, $0xb8;
	[tilespmem:$0x10480] =	vst v63  }
0x6b: {  	_ =	swait.ge [sflag:s5], $0x80  }
0x6c: {  	[sflag:s5] =	ssyncset.done $0x0  }
0x6d: {  	[sflag:s5] =	ssyncadd.s32 $0xFFFFFF80  }
0x6e: {  	[spmem:s2] =	stream.indirect.scatter.add.f32 [tilespmem:s6], [sflag:$0x2], $0x1, s15, s12, $0xb8;
	[tilespmem:$0x10480] =	vst v63  }
0x6f: {  	_ =	swait.ge [sflag:s5], $0x80  }
0x70: {  	[sflag:s5] =	ssyncset.done $0x0  }
0x71: {  	[sflag:s5] =	ssyncadd.s32 $0xFFFFFF80  }
0x72: {  	[spmem:s2] =	stream.indirect.scatter.add.f32 [tilespmem:s6], [sflag:$0x2], $0x1, s17, s12, $0xb8;
	[tilespmem:$0x10480] =	vst v63  }
0x73: {  	_ =	swait.ge [sflag:s5], $0x80  }
0x74: {  	[sflag:s5] =	ssyncset.done $0x0  }
.Ltmp1:
0x75: {  	[sflag:s5] =	ssyncadd.s32 $0xFFFFFF80;
	(pc) =	sbr.rel @p1 .LBB2_1-.Ltmp1, $4  }
0x76: {  	[bflag:$0x0] =	sbarrier.arrive $0xFFFF  }
0x77: {  	[hbm:s21@s25], [sflag:s10] =	dma.strided @!p0 [spmem:s9@s23], $0x400, s24, $0x10   }
0x78: {  	_ =	swait.ge @!p0 [sflag:s8], $0x400  }
0x79: {  	[sflag:s8] =	ssyncset.done @!p0 $0x0  }
.LBB2_2:
0x7a: {  	[sflag:s8] =	ssyncadd.s32 @!p0 $0xFFFFFC00  }
0x7b: {  	_ =	sfence.sel $0x180000  }
0x7c: {  	[bflag:$0x0] =	sbarrier.arrive $0xFFFF  }
0x7d: {  	_ =	strace $0x90000047  }
0x7e: {  	s0 =	sadd.s32 @!p0 $0x100000, s0;
	[bflag:$0x2] =	sbarrier.arrive $0xFFFF  }
0x7f: {  	[sflag:s0] =	ssyncadd.tile.s32 @!p0 $0x1;
	_ =	shalt  }
.Lfunc_end2:
_tile_overlayer_lowered:
.L_overlay_start_2:
0x80: {  	(tag) =	ssettag $0x2  }
0x81: {  	s0 =	rddreg [dreg:$0x0];
	s2 =	stileid.u32  }
0x82: {  	s1 =	rddreg [dreg:$0x1];
	p0 =	sne.s32 s2, $0x0  }
0x83: {  	s3 =	rddreg [dreg:$0x2];
	[bflag:$0x3] =	sbarrier.arrive $0xFFFF;
	s2 =	simm.s32 @!p0 $0x1C02  }
0x84: {  	[timem:s3], [sflag:s2] =	dma.local @!p0 [hbm:s0], s1  }
0x85: {  	s0 =	simm.s32 @!p0 $0x2  }
0x86: {  	_ =	swait.ge @!p0 [sflag:s0], s1  }
0x87: {  	s1 =	ssub.s32 @!p0 $0x0, s1;
	[sflag:s0] =	ssyncset.done @!p0 $0x0  }
0x88: {  	[sflag:s0] =	ssyncadd.s32 @!p0 s1  }
0x89: {  	[bflag:$0x3] =	sbarrier.arrive $0xFFFF  }
0x8a: {  	_ =	shalt  }

</sc_bundles>
